<compile_context>
chip_gen: v7x
topology: tpu7x:2x2x1
jax: 0.10.2.dev20260603
libtpu: 0.0.44.dev20260713+nightly
codegen_flags: <defaults>
</compile_context>

<pallas_src>
import functools
import math

import jax
import jax.numpy as jnp
from jax import lax
from jax.experimental import pallas as pl
from jax.experimental.pallas import tpu as pltpu
from jax.experimental.pallas import tpu_sc as plsc

_PRE = 5000
_POST = 1000
_THRESH = 0.7
_CLIP = math.log(1000.0 / 16.0)
_BLK = 512
_NPAD = 5120


def _shift_right_lanes(x, s):
    return jnp.concatenate([jnp.zeros((1, s), x.dtype), x[:, :-s]], axis=1)


def _iou_cols_rows(cx1, cy1, cx2, cy2, careav, rx1, ry1, rx2, ry2, rareav):
    ltx = jnp.maximum(cx1, rx1)
    lty = jnp.maximum(cy1, ry1)
    rbx = jnp.minimum(cx2, rx2)
    rby = jnp.minimum(cy2, ry2)
    w = jnp.maximum(rbx - ltx + 1.0, 0.0)
    h = jnp.maximum(rby - lty + 1.0, 0.0)
    inter = w * h
    return inter / (careav + rareav - inter)


def _nms_body(sc_ref, br_ref, an_ref, out_ref):
    sc = sc_ref[0]
    br = br_ref[0]
    an = an_ref[0]

    ax1, ay1, ax2, ay2 = (an[0:1], an[1:2], an[2:3], an[3:4])
    w = ax2 - ax1 + 1.0
    h = ay2 - ay1 + 1.0
    ctr_x = ax1 + 0.5 * w
    ctr_y = ay1 + 0.5 * h
    dx, dy = br[0:1], br[1:2]
    dw = jnp.minimum(br[2:3], _CLIP)
    dh = jnp.minimum(br[3:4], _CLIP)
    pcx = dx * w + ctr_x
    pcy = dy * h + ctr_y
    pw = jnp.exp(dw) * w
    ph = jnp.exp(dh) * h
    px1 = pcx - 0.5 * pw
    py1 = pcy - 0.5 * ph
    px2 = pcx + 0.5 * pw - 1.0
    py2 = pcy + 0.5 * ph - 1.0
    area = (px2 - px1 + 1.0) * (py2 - py1 + 1.0)

    lane = jax.lax.broadcasted_iota(jnp.int32, (1, _NPAD), 1)
    alive = jnp.where(lane < _PRE, 1.0, 0.0)

    upper = jnp.where(
        jax.lax.broadcasted_iota(jnp.int32, (_BLK, _BLK), 0)
        < jax.lax.broadcasted_iota(jnp.int32, (_BLK, _BLK), 1), 1.0, 0.0)

    for k in range(_NPAD // _BLK):
        s0, s1 = k * _BLK, (k + 1) * _BLK
        bx1, by1, bx2, by2 = px1[:, s0:s1], py1[:, s0:s1], px2[:, s0:s1], py2[:, s0:s1]
        bar = area[:, s0:s1]
        cx1, cy1, cx2, cy2 = (jnp.transpose(bx1), jnp.transpose(by1),
                              jnp.transpose(bx2), jnp.transpose(by2))
        car = jnp.transpose(bar)
        iou = _iou_cols_rows(cx1, cy1, cx2, cy2, car, bx1, by1, bx2, by2, bar)
        m = jnp.where(iou > _THRESH, 1.0, 0.0) * upper
        blk_alive = alive[:, s0:s1]

        def fix_cond(state):
            return state[1]

        def fix_body(state):
            s, _ = state
            keep_col = jnp.transpose(blk_alive * (1.0 - s))
            s_new = jnp.max(m * keep_col, axis=0, keepdims=True)
            return s_new, jnp.any(s_new != s)

        s_fix, _ = jax.lax.while_loop(
            fix_cond, fix_body,
            (jnp.zeros((1, _BLK), jnp.float32), jnp.array(True)))
        kept_blk = blk_alive * (1.0 - s_fix)

        in_blk = (lane >= s0) & (lane < s1)
        kept_full = jnp.pad(kept_blk, ((0, 0), (s0, _NPAD - s1)))
        if s1 < _NPAD:
            rx1, ry1, rx2, ry2 = (px1[:, s1:], py1[:, s1:], px2[:, s1:], py2[:, s1:])
            rar = area[:, s1:]
            cross = _iou_cols_rows(cx1, cy1, cx2, cy2, car, rx1, ry1, rx2, ry2, rar)
            kept_col = jnp.transpose(kept_blk)
            sup = jnp.max(jnp.where(cross > _THRESH, 1.0, 0.0) * kept_col,
                          axis=0, keepdims=True)
            sup_full = jnp.pad(sup, ((0, 0), (s1, 0)))
            alive = jnp.where(in_blk, kept_full, alive * (1.0 - sup_full))
        else:
            alive = jnp.where(in_blk, kept_full, alive)

    alive_f = alive
    csum = alive_f
    s = 1
    while s < _NPAD:
        csum = csum + _shift_right_lanes(csum, s)
        s *= 2
    rank = csum - alive_f

    slot = jax.lax.broadcasted_iota(jnp.int32, (_POST, _NPAD), 0)
    onehot = jnp.where(slot == rank.astype(jnp.int32), 1.0, 0.0) * alive_f
    rows = jnp.concatenate(
        [px1, py1, px2, py2, sc, jnp.zeros((3, _NPAD), jnp.float32)], axis=0)
    out8 = jax.lax.dot_general(
        rows, onehot, (((1,), (1,)), ((), ())),
        preferred_element_type=jnp.float32)
    out_ref[0] = out8


def _sc_gather(table, idx_flat):
    info = plsc.get_sparse_core_info()
    nw = info.num_cores * info.num_subcores
    B = idx_flat.shape[0]
    bpw = B // nw
    D = table.shape[1]
    mesh = plsc.VectorSubcoreMesh(core_axis_name="c", subcore_axis_name="s")

    @functools.partial(
        pl.kernel, mesh=mesh,
        out_type=jax.ShapeDtypeStruct((B, D), jnp.float32),
        compiler_params=pltpu.CompilerParams(use_tc_tiling_on_sc=False),
        scratch_types=[
            pltpu.VMEM((bpw,), jnp.int32),
            pltpu.VMEM((bpw, D), jnp.float32),
            pltpu.SemaphoreType.DMA,
        ],
    )
    def gather_kernel(table_hbm, idx_hbm, out_hbm, idx_v, rows_v, sem):
        wid = lax.axis_index("s") * info.num_cores + lax.axis_index("c")
        base = wid * bpw
        pltpu.sync_copy(idx_hbm.at[pl.ds(base, bpw)], idx_v)
        pltpu.async_copy(table_hbm.at[idx_v], rows_v, sem).wait()
        pltpu.sync_copy(rows_v, out_hbm.at[pl.ds(base, bpw)])

    return gather_kernel(table, idx_flat)


@jax.jit
def kernel(objectness, box_regression, anchors):
    N, A, H, W = objectness.shape
    num = A * H * W
    logits = jnp.transpose(objectness, (0, 2, 3, 1)).reshape(N, num)
    scores_all = jax.nn.sigmoid(logits)
    top_scores, top_idx = jax.lax.top_k(scores_all, _PRE)

    breg = box_regression.reshape(N, A, 4, H, W)
    breg = jnp.transpose(breg, (0, 3, 4, 1, 2)).reshape(N, num, 4)
    table = jnp.concatenate(
        [breg, anchors, jnp.zeros((N, num, 8), jnp.float32)], axis=2
    ).reshape(N * num, 16)
    pad = _NPAD - _PRE
    idx_pad = jnp.pad(top_idx.astype(jnp.int32), ((0, 0), (0, pad)))
    idx_flat = (idx_pad + (jnp.arange(N, dtype=jnp.int32) * num)[:, None]).reshape(-1)
    rows_g = _sc_gather(table, idx_flat).reshape(N, _NPAD, 16)

    sc_in = jnp.pad(top_scores, ((0, 0), (0, pad)))[:, None, :]
    br_in = jnp.transpose(rows_g[:, :, 0:4], (0, 2, 1))
    an_in = jnp.transpose(rows_g[:, :, 4:8], (0, 2, 1))

    out8 = pl.pallas_call(
        _nms_body,
        grid=(N,),
        in_specs=[
            pl.BlockSpec((1, 1, _NPAD), lambda i: (i, 0, 0)),
            pl.BlockSpec((1, 4, _NPAD), lambda i: (i, 0, 0)),
            pl.BlockSpec((1, 4, _NPAD), lambda i: (i, 0, 0)),
        ],
        out_specs=pl.BlockSpec((1, 8, _POST), lambda i: (i, 0, 0)),
        out_shape=jax.ShapeDtypeStruct((N, 8, _POST), jnp.float32),
    )(sc_in, br_in, an_in)

    return jnp.transpose(out8, (0, 2, 1))[..., :5]

# --- scband reference (transcript-rebuilt; emitter-appended) ---
"""Pipeline reference for scband-rpnbox-selector-25975962206920 (READ-ONLY COPY).

The authoritative reference and input builder live on the scoring server;
editing this copy changes nothing except your own understanding.
"""

import jax, jax.numpy as jnp
import numpy as np
import math

PRE_NMS_TOP_N = 5000
POST_NMS_TOP_N = 1000
NMS_THRESH = 0.7
BBOX_XFORM_CLIP = math.log(1000.0 / 16.0)


def setup_inputs(seed: int = 0) -> dict:
    key = jax.random.key(seed)
    k1, k2, k3, k4, k5, k6 = jax.random.split(key, 6)
    N, A, H, W = 4, 15, 100, 168
    objectness = jax.random.normal(k1, (N, A, H, W), dtype=jnp.float32)
    box_regression = jax.random.normal(k2, (N, A * 4, H, W), dtype=jnp.float32) * 0.1
    num = A * H * W
    cx = jax.random.uniform(k3, (N, num), minval=0.0, maxval=1344.0)
    cy = jax.random.uniform(k4, (N, num), minval=0.0, maxval=800.0)
    bw = jax.random.uniform(k5, (N, num), minval=16.0, maxval=256.0)
    bh = jax.random.uniform(k6, (N, num), minval=16.0, maxval=256.0)
    anchors = jnp.stack([cx - 0.5 * bw, cy - 0.5 * bh, cx + 0.5 * bw, cy + 0.5 * bh], axis=-1).astype(jnp.float32)
    return {"objectness": objectness, "box_regression": box_regression, "anchors": anchors}


def _decode(rel, anc):
    # BoxCoder.decode with weights (1,1,1,1), maskrcnn-benchmark convention (TO_REMOVE=1)
    widths = anc[:, 2] - anc[:, 0] + 1.0
    heights = anc[:, 3] - anc[:, 1] + 1.0
    ctr_x = anc[:, 0] + 0.5 * widths
    ctr_y = anc[:, 1] + 0.5 * heights
    dx, dy, dw, dh = rel[:, 0], rel[:, 1], rel[:, 2], rel[:, 3]
    dw = jnp.minimum(dw, BBOX_XFORM_CLIP)
    dh = jnp.minimum(dh, BBOX_XFORM_CLIP)
    pred_ctr_x = dx * widths + ctr_x
    pred_ctr_y = dy * heights + ctr_y
    pred_w = jnp.exp(dw) * widths
    pred_h = jnp.exp(dh) * heights
    x1 = pred_ctr_x - 0.5 * pred_w
    y1 = pred_ctr_y - 0.5 * pred_h
    x2 = pred_ctr_x + 0.5 * pred_w - 1.0
    y2 = pred_ctr_y + 0.5 * pred_h - 1.0
    return jnp.stack([x1, y1, x2, y2], axis=1)


def _iou_one_vs_all(box, boxes):
    area1 = (box[2] - box[0] + 1.0) * (box[3] - box[1] + 1.0)
    areas = (boxes[:, 2] - boxes[:, 0] + 1.0) * (boxes[:, 3] - boxes[:, 1] + 1.0)
    lt = jnp.maximum(box[:2], boxes[:, :2])
    rb = jnp.minimum(box[2:], boxes[:, 2:])
    wh = jnp.maximum(rb - lt + 1.0, 0.0)
    inter = wh[:, 0] * wh[:, 1]
    return inter / (area1 + areas - inter)


def _nms(boxes, scores):
    # greedy NMS, emits POST_NMS_TOP_N (box, score) slots, zero-padded when exhausted
    def step(mask, _):
        masked = jnp.where(mask, scores, -1.0)  # sigmoid scores are in (0,1)
        idx = jnp.argmax(masked)
        valid = masked[idx] > -0.5
        b = boxes[idx]
        s = scores[idx]
        iou = _iou_one_vs_all(b, boxes)
        new_mask = jnp.where(valid, mask & (iou <= NMS_THRESH), mask)
        out_b = jnp.where(valid, b, jnp.zeros(4, dtype=boxes.dtype))
        out_s = jnp.where(valid, s, jnp.zeros((), dtype=scores.dtype))
        return new_mask, (out_b, out_s)

    mask0 = jnp.ones(boxes.shape[0], dtype=bool)
    _, (out_b, out_s) = jax.lax.scan(step, mask0, None, length=POST_NMS_TOP_N)
    return out_b, out_s


def _forward(objectness, box_regression, anchors):
    N, A, H, W = objectness.shape
    num_anchors = A * H * W
    obj = jnp.transpose(objectness, (0, 2, 3, 1)).reshape(N, -1)
    obj = jax.nn.sigmoid(obj)
    breg = box_regression.reshape(N, -1, 4, H, W)
    breg = jnp.transpose(breg, (0, 3, 4, 1, 2)).reshape(N, -1, 4)
    pre = min(PRE_NMS_TOP_N, num_anchors)
    top_scores, top_idx = jax.lax.top_k(obj, pre)
    out_boxes = []
    out_scores = []
    for i in range(N):
        br = breg[i][top_idx[i]]
        an = anchors[i][top_idx[i]]
        proposals = _decode(br.reshape(-1, 4), an.reshape(-1, 4))
        b, s = _nms(proposals, top_scores[i])
        out_boxes.append(b)
        out_scores.append(s)
    boxes = jnp.stack(out_boxes, axis=0)
    scores = jnp.stack(out_scores, axis=0)
    return jnp.concatenate([boxes, scores[..., None]], axis=-1)


def reference(objectness, box_regression, anchors):
    return _forward(objectness, box_regression, anchors)

if __name__ == "__main__":
    import jax
    _d = setup_inputs()
    print(jax.jit(kernel)(*tuple(_d.values())))

</pallas_src>

<mosaic_0001>
#map = affine_map<(d0, d1) -> (0, 0)>
#map1 = affine_map<(d0, d1) -> (0)>
module attributes {stable_mosaic.version = 14 : i64} {
  func.func @gather_kernel(%arg0: i32, %arg1: i32, %arg2: memref<1008000x16xf32, #tpu.memory_space<hbm>>, %arg3: memref<20480xi32, #tpu.memory_space<hbm>>, %arg4: memref<20480x16xf32, #tpu.memory_space<hbm>>, %arg5: memref<640xi32, #tpu.memory_space<vmem>>, %arg6: memref<640x16xf32, #tpu.memory_space<vmem>>, %arg7: memref<!tpu.dma_semaphore, #tpu.memory_space<semaphore_mem>>) attributes {dimension_semantics = [#tpu.dimension_semantics<core_parallel>, #tpu.dimension_semantics<subcore_parallel>], iteration_bounds = array<i64: 2, 16>, scalar_prefetch = 0 : i64, scratch_operands = 3 : i64, tpu.core_type = #tpu.core_type<sc_vector_subcore>, window_params = [{transform_indices = #map}, {transform_indices = #map1}, {transform_indices = #map}]} {
    %mul3A = arith.constant 2 : i32
    %mul3A_0 = arith.muli %arg1, %mul3A : i32
    %add3A = arith.addi %mul3A_0, %arg0 : i32
    %mul3A_1 = arith.constant 640 : i32
    %mul3A_2 = arith.muli %add3A, %mul3A_1 : i32
    "tpu.region"() ({
      %run_scoped3A = tpu.sem_alloc : memref<!tpu.dma_semaphore, #tpu.memory_space<semaphore_mem>>
      %dma_start3A_7 = tpu.memref_slice %arg3[%mul3A_2] : memref<20480xi32, #tpu.memory_space<hbm>> -> memref<640xi32, #tpu.memory_space<hbm>>
      %dma_start3A_8 = tpu.memref_slice %arg3[%mul3A_2] : memref<20480xi32, #tpu.memory_space<hbm>> -> memref<640xi32, #tpu.memory_space<hbm>>
      tpu.enqueue_dma source(%dma_start3A_8 : memref<640xi32, #tpu.memory_space<hbm>>) target(%arg5 : memref<640xi32, #tpu.memory_space<vmem>>) target_semaphore(%run_scoped3A : memref<!tpu.dma_semaphore, #tpu.memory_space<semaphore_mem>>)
      %dma_wait3A_9 = tpu.memref_slice %arg3[%mul3A_2] : memref<20480xi32, #tpu.memory_space<hbm>> -> memref<640xi32, #tpu.memory_space<hbm>>
      %dma_wait3A_10 = tpu.memref_slice %arg3[%mul3A_2] : memref<20480xi32, #tpu.memory_space<hbm>> -> memref<640xi32, #tpu.memory_space<hbm>>
      tpu.wait_dma2 semaphore(%run_scoped3A : memref<!tpu.dma_semaphore, #tpu.memory_space<semaphore_mem>>) src(%dma_wait3A_10 : memref<640xi32, #tpu.memory_space<hbm>>) dst(%arg5 : memref<640xi32, #tpu.memory_space<vmem>>)
      tpu.yield
    }) : () -> ()
    %dma_start3A = arith.constant 0 : i32
    %dma_start3A_3 = arith.constant 0 : i32
    %dma_start3A_4 = tpu.memref_slice %arg2[%dma_start3A, %dma_start3A_3] : memref<1008000x16xf32, #tpu.memory_space<hbm>> -> memref<1008000x16xf32, #tpu.memory_space<hbm>>
    tpu.enqueue_indirect_dma source(%dma_start3A_4 : memref<1008000x16xf32, #tpu.memory_space<hbm>>) target(%arg6 : memref<640x16xf32, #tpu.memory_space<vmem>>) offsets(%arg5 : memref<640xi32, #tpu.memory_space<vmem>>) semaphore(%arg7 : memref<!tpu.dma_semaphore, #tpu.memory_space<semaphore_mem>>)
    %dma_wait3A = arith.constant 0 : i32
    %dma_wait3A_5 = arith.constant 0 : i32
    %dma_wait3A_6 = tpu.memref_slice %arg2[%dma_wait3A, %dma_wait3A_5] : memref<1008000x16xf32, #tpu.memory_space<hbm>> -> memref<1008000x16xf32, #tpu.memory_space<hbm>>
    tpu.wait_indirect_dma semaphore(%arg7 : memref<!tpu.dma_semaphore, #tpu.memory_space<semaphore_mem>>) src(%dma_wait3A_6 : memref<1008000x16xf32, #tpu.memory_space<hbm>>) dst(%arg6 : memref<640x16xf32, #tpu.memory_space<vmem>>)
    "tpu.region"() ({
      %run_scoped3A = tpu.sem_alloc : memref<!tpu.dma_semaphore, #tpu.memory_space<semaphore_mem>>
      %dma_start3A_7 = arith.constant 0 : i32
      %dma_start3A_8 = tpu.memref_slice %arg4[%mul3A_2, %dma_start3A_7] : memref<20480x16xf32, #tpu.memory_space<hbm>> -> memref<640x16xf32, #tpu.memory_space<hbm>>
      %dma_start3A_9 = arith.constant 0 : i32
      %dma_start3A_10 = tpu.memref_slice %arg4[%mul3A_2, %dma_start3A_9] : memref<20480x16xf32, #tpu.memory_space<hbm>> -> memref<640x16xf32, #tpu.memory_space<hbm>>
      tpu.enqueue_dma source(%arg6 : memref<640x16xf32, #tpu.memory_space<vmem>>) target(%dma_start3A_10 : memref<640x16xf32, #tpu.memory_space<hbm>>) target_semaphore(%run_scoped3A : memref<!tpu.dma_semaphore, #tpu.memory_space<semaphore_mem>>)
      %dma_wait3A_11 = arith.constant 0 : i32
      %dma_wait3A_12 = tpu.memref_slice %arg4[%mul3A_2, %dma_wait3A_11] : memref<20480x16xf32, #tpu.memory_space<hbm>> -> memref<640x16xf32, #tpu.memory_space<hbm>>
      %dma_wait3A_13 = arith.constant 0 : i32
      %dma_wait3A_14 = tpu.memref_slice %arg4[%mul3A_2, %dma_wait3A_13] : memref<20480x16xf32, #tpu.memory_space<hbm>> -> memref<640x16xf32, #tpu.memory_space<hbm>>
      tpu.wait_dma2 semaphore(%run_scoped3A : memref<!tpu.dma_semaphore, #tpu.memory_space<semaphore_mem>>) src(%arg6 : memref<640x16xf32, #tpu.memory_space<vmem>>) dst(%dma_wait3A_14 : memref<640x16xf32, #tpu.memory_space<hbm>>)
      tpu.yield
    }) : () -> ()
    return
  }
}

module attributes {stable_mosaic.version = 14 : i64} {
  func.func @_nms_body(%arg0: i32, %arg1: memref<1x1x5120xf32, #tpu.memory_space<vmem>>, %arg2: memref<1x4x5120xf32, #tpu.memory_space<vmem>>, %arg3: memref<1x4x5120xf32, #tpu.memory_space<vmem>>, %arg4: memref<1x8x1000xf32, #tpu.memory_space<vmem>>) attributes {dimension_semantics = [#tpu.dimension_semantics<arbitrary>], iteration_bounds = array<i64: 4>, scalar_prefetch = 0 : i64, scratch_operands = 0 : i64, tpu.core_type = #tpu.core_type<tc>, window_params = [{transform_indices = @transform_0, window_bounds = array<i64: 1, 1, 5120>}, {transform_indices = @transform_1, window_bounds = array<i64: 1, 4, 5120>}, {transform_indices = @transform_2, window_bounds = array<i64: 1, 4, 5120>}, {transform_indices = @transform_3, window_bounds = array<i64: 1, 8, 1000>}]} {
    %get3A = arith.constant 0 : index
    %get3A_0 = arith.constant 0 : index
    %get3A_1 = arith.constant 0 : index
    %get3A_2 = vector.load %arg1[%get3A, %get3A_0, %get3A_1] : memref<1x1x5120xf32, #tpu.memory_space<vmem>>, vector<1x1x5120xf32>
    %get3A_3 = vector.shape_cast %get3A_2 : vector<1x1x5120xf32> to vector<1x5120xf32>
    %get3A_4 = arith.constant 0 : index
    %get3A_5 = arith.constant 0 : index
    %get3A_6 = arith.constant 0 : index
    %get3A_7 = vector.load %arg2[%get3A_4, %get3A_5, %get3A_6] : memref<1x4x5120xf32, #tpu.memory_space<vmem>>, vector<1x4x5120xf32>
    %get3A_8 = vector.shape_cast %get3A_7 : vector<1x4x5120xf32> to vector<4x5120xf32>
    %get3A_9 = arith.constant 0 : index
    %get3A_10 = arith.constant 0 : index
    %get3A_11 = arith.constant 0 : index
    %get3A_12 = vector.load %arg3[%get3A_9, %get3A_10, %get3A_11] : memref<1x4x5120xf32, #tpu.memory_space<vmem>>, vector<1x4x5120xf32>
    %get3A_13 = vector.shape_cast %get3A_12 : vector<1x4x5120xf32> to vector<4x5120xf32>
    %slice3A = vector.extract_strided_slice %get3A_13 {offsets = [0, 0], sizes = [1, 5120], strides = [1, 1]} : vector<4x5120xf32> to vector<1x5120xf32>
    %slice3A_14 = vector.extract_strided_slice %get3A_13 {offsets = [1, 0], sizes = [1, 5120], strides = [1, 1]} : vector<4x5120xf32> to vector<1x5120xf32>
    %slice3A_15 = vector.extract_strided_slice %get3A_13 {offsets = [2, 0], sizes = [1, 5120], strides = [1, 1]} : vector<4x5120xf32> to vector<1x5120xf32>
    %slice3A_16 = vector.extract_strided_slice %get3A_13 {offsets = [3, 0], sizes = [1, 5120], strides = [1, 1]} : vector<4x5120xf32> to vector<1x5120xf32>
    %sub3A = arith.subf %slice3A_15, %slice3A : vector<1x5120xf32>
    %add3A = arith.constant 1.000000e+00 : f32
    %add3A_17 = vector.broadcast %add3A : f32 to vector<1x5120xf32>
    %add3A_18 = arith.addf %sub3A, %add3A_17 : vector<1x5120xf32>
    %sub3A_19 = arith.subf %slice3A_16, %slice3A_14 : vector<1x5120xf32>
    %add3A_20 = arith.constant 1.000000e+00 : f32
    %add3A_21 = vector.broadcast %add3A_20 : f32 to vector<1x5120xf32>
    %add3A_22 = arith.addf %sub3A_19, %add3A_21 : vector<1x5120xf32>
    %mul3A = arith.constant 5.000000e-01 : f32
    %mul3A_23 = vector.broadcast %mul3A : f32 to vector<1x5120xf32>
    %mul3A_24 = arith.mulf %mul3A_23, %add3A_18 : vector<1x5120xf32>
    %add3A_25 = arith.addf %slice3A, %mul3A_24 : vector<1x5120xf32>
    %mul3A_26 = arith.constant 5.000000e-01 : f32
    %mul3A_27 = vector.broadcast %mul3A_26 : f32 to vector<1x5120xf32>
    %mul3A_28 = arith.mulf %mul3A_27, %add3A_22 : vector<1x5120xf32>
    %add3A_29 = arith.addf %slice3A_14, %mul3A_28 : vector<1x5120xf32>
    %slice3A_30 = vector.extract_strided_slice %get3A_8 {offsets = [0, 0], sizes = [1, 5120], strides = [1, 1]} : vector<4x5120xf32> to vector<1x5120xf32>
    %slice3A_31 = vector.extract_strided_slice %get3A_8 {offsets = [1, 0], sizes = [1, 5120], strides = [1, 1]} : vector<4x5120xf32> to vector<1x5120xf32>
    %slice3A_32 = vector.extract_strided_slice %get3A_8 {offsets = [2, 0], sizes = [1, 5120], strides = [1, 1]} : vector<4x5120xf32> to vector<1x5120xf32>
    %min3A = arith.constant 4.13516665 : f32
    %min3A_33 = vector.broadcast %min3A : f32 to vector<1x5120xf32>
    %min3A_34 = arith.minimumf %slice3A_32, %min3A_33 : vector<1x5120xf32>
    %slice3A_35 = vector.extract_strided_slice %get3A_8 {offsets = [3, 0], sizes = [1, 5120], strides = [1, 1]} : vector<4x5120xf32> to vector<1x5120xf32>
    %min3A_36 = arith.constant 4.13516665 : f32
    %min3A_37 = vector.broadcast %min3A_36 : f32 to vector<1x5120xf32>
    %min3A_38 = arith.minimumf %slice3A_35, %min3A_37 : vector<1x5120xf32>
    %mul3A_39 = arith.mulf %slice3A_30, %add3A_18 : vector<1x5120xf32>
    %add3A_40 = arith.addf %mul3A_39, %add3A_25 : vector<1x5120xf32>
    %mul3A_41 = arith.mulf %slice3A_31, %add3A_22 : vector<1x5120xf32>
    %add3A_42 = arith.addf %mul3A_41, %add3A_29 : vector<1x5120xf32>
    %exp3A = math.exp %min3A_34 : vector<1x5120xf32>
    %mul3A_43 = arith.mulf %exp3A, %add3A_18 : vector<1x5120xf32>
    %exp3A_44 = math.exp %min3A_38 : vector<1x5120xf32>
    %mul3A_45 = arith.mulf %exp3A_44, %add3A_22 : vector<1x5120xf32>
    %mul3A_46 = arith.constant 5.000000e-01 : f32
    %mul3A_47 = vector.broadcast %mul3A_46 : f32 to vector<1x5120xf32>
    %mul3A_48 = arith.mulf %mul3A_47, %mul3A_43 : vector<1x5120xf32>
    %sub3A_49 = arith.subf %add3A_40, %mul3A_48 : vector<1x5120xf32>
    %mul3A_50 = arith.constant 5.000000e-01 : f32
    %mul3A_51 = vector.broadcast %mul3A_50 : f32 to vector<1x5120xf32>
    %mul3A_52 = arith.mulf %mul3A_51, %mul3A_45 : vector<1x5120xf32>
    %sub3A_53 = arith.subf %add3A_42, %mul3A_52 : vector<1x5120xf32>
    %mul3A_54 = arith.constant 5.000000e-01 : f32
    %mul3A_55 = vector.broadcast %mul3A_54 : f32 to vector<1x5120xf32>
    %mul3A_56 = arith.mulf %mul3A_55, %mul3A_43 : vector<1x5120xf32>
    %add3A_57 = arith.addf %add3A_40, %mul3A_56 : vector<1x5120xf32>
    %sub3A_58 = arith.constant 1.000000e+00 : f32
    %sub3A_59 = vector.broadcast %sub3A_58 : f32 to vector<1x5120xf32>
    %sub3A_60 = arith.subf %add3A_57, %sub3A_59 : vector<1x5120xf32>
    %mul3A_61 = arith.constant 5.000000e-01 : f32
    %mul3A_62 = vector.broadcast %mul3A_61 : f32 to vector<1x5120xf32>
    %mul3A_63 = arith.mulf %mul3A_62, %mul3A_45 : vector<1x5120xf32>
    %add3A_64 = arith.addf %add3A_42, %mul3A_63 : vector<1x5120xf32>
    %sub3A_65 = arith.constant 1.000000e+00 : f32
    %sub3A_66 = vector.broadcast %sub3A_65 : f32 to vector<1x5120xf32>
    %sub3A_67 = arith.subf %add3A_64, %sub3A_66 : vector<1x5120xf32>
    %sub3A_68 = arith.subf %sub3A_60, %sub3A_49 : vector<1x5120xf32>
    %add3A_69 = arith.constant 1.000000e+00 : f32
    %add3A_70 = vector.broadcast %add3A_69 : f32 to vector<1x5120xf32>
    %add3A_71 = arith.addf %sub3A_68, %add3A_70 : vector<1x5120xf32>
    %sub3A_72 = arith.subf %sub3A_67, %sub3A_53 : vector<1x5120xf32>
    %add3A_73 = arith.constant 1.000000e+00 : f32
    %add3A_74 = vector.broadcast %add3A_73 : f32 to vector<1x5120xf32>
    %add3A_75 = arith.addf %sub3A_72, %add3A_74 : vector<1x5120xf32>
    %mul3A_76 = arith.mulf %add3A_71, %add3A_75 : vector<1x5120xf32>
    %iota3A = tpu.iota {dimensions = array<i32: 1>} : vector<1x5120xi32>
    %lt3A = arith.constant 5000 : i32
    %lt3A_77 = vector.broadcast %lt3A : i32 to vector<1x5120xi32>
    %lt3A_78 = arith.cmpi slt, %iota3A, %lt3A_77 : vector<1x5120xi32>
    %jit3A = arith.constant 1.000000e+00 : f32
    %jit3A_79 = arith.constant 0.000000e+00 : f32
    %broadcast_in_dim3A = vector.broadcast %jit3A : f32 to vector<1x5120xf32>
    %broadcast_in_dim3A_80 = vector.broadcast %jit3A_79 : f32 to vector<1x5120xf32>
    %select_n3A = arith.select %lt3A_78, %broadcast_in_dim3A, %broadcast_in_dim3A_80 : vector<1x5120xi1>, vector<1x5120xf32>
    %iota3A_81 = tpu.iota {dimensions = array<i32: 0>} : vector<512x512xi32>
    %iota3A_82 = tpu.iota {dimensions = array<i32: 1>} : vector<512x512xi32>
    %lt3A_83 = arith.cmpi slt, %iota3A_81, %iota3A_82 : vector<512x512xi32>
    %jit3A_84 = arith.constant 1.000000e+00 : f32
    %jit3A_85 = arith.constant 0.000000e+00 : f32
    %broadcast_in_dim3A_86 = vector.broadcast %jit3A_84 : f32 to vector<512x512xf32>
    %broadcast_in_dim3A_87 = vector.broadcast %jit3A_85 : f32 to vector<512x512xf32>
    %select_n3A_88 = arith.select %lt3A_83, %broadcast_in_dim3A_86, %broadcast_in_dim3A_87 : vector<512x512xi1>, vector<512x512xf32>
    %slice3A_89 = vector.extract_strided_slice %sub3A_49 {offsets = [0, 0], sizes = [1, 512], strides = [1, 1]} : vector<1x5120xf32> to vector<1x512xf32>
    %slice3A_90 = vector.extract_strided_slice %sub3A_53 {offsets = [0, 0], sizes = [1, 512], strides = [1, 1]} : vector<1x5120xf32> to vector<1x512xf32>
    %slice3A_91 = vector.extract_strided_slice %sub3A_60 {offsets = [0, 0], sizes = [1, 512], strides = [1, 1]} : vector<1x5120xf32> to vector<1x512xf32>
    %slice3A_92 = vector.extract_strided_slice %sub3A_67 {offsets = [0, 0], sizes = [1, 512], strides = [1, 1]} : vector<1x5120xf32> to vector<1x512xf32>
    %slice3A_93 = vector.extract_strided_slice %mul3A_76 {offsets = [0, 0], sizes = [1, 512], strides = [1, 1]} : vector<1x5120xf32> to vector<1x512xf32>
    %transpose3A = tpu.transpose %slice3A_89, [1, 0] : vector<1x512xf32> -> vector<512x1xf32>
    %transpose3A_94 = tpu.transpose %slice3A_90, [1, 0] : vector<1x512xf32> -> vector<512x1xf32>
    %transpose3A_95 = tpu.transpose %slice3A_91, [1, 0] : vector<1x512xf32> -> vector<512x1xf32>
    %transpose3A_96 = tpu.transpose %slice3A_92, [1, 0] : vector<1x512xf32> -> vector<512x1xf32>
    %transpose3A_97 = tpu.transpose %slice3A_93, [1, 0] : vector<1x512xf32> -> vector<512x1xf32>
    %max3A = vector.broadcast %transpose3A : vector<512x1xf32> to vector<512x512xf32>
    %max3A_98 = vector.broadcast %slice3A_89 : vector<1x512xf32> to vector<512x512xf32>
    %max3A_99 = arith.maximumf %max3A, %max3A_98 : vector<512x512xf32>
    %max3A_100 = vector.broadcast %transpose3A_94 : vector<512x1xf32> to vector<512x512xf32>
    %max3A_101 = vector.broadcast %slice3A_90 : vector<1x512xf32> to vector<512x512xf32>
    %max3A_102 = arith.maximumf %max3A_100, %max3A_101 : vector<512x512xf32>
    %min3A_103 = vector.broadcast %transpose3A_95 : vector<512x1xf32> to vector<512x512xf32>
    %min3A_104 = vector.broadcast %slice3A_91 : vector<1x512xf32> to vector<512x512xf32>
    %min3A_105 = arith.minimumf %min3A_103, %min3A_104 : vector<512x512xf32>
    %min3A_106 = vector.broadcast %transpose3A_96 : vector<512x1xf32> to vector<512x512xf32>
    %min3A_107 = vector.broadcast %slice3A_92 : vector<1x512xf32> to vector<512x512xf32>
    %min3A_108 = arith.minimumf %min3A_106, %min3A_107 : vector<512x512xf32>
    %sub3A_109 = arith.subf %min3A_105, %max3A_99 : vector<512x512xf32>
    %add3A_110 = arith.constant 1.000000e+00 : f32
    %add3A_111 = vector.broadcast %add3A_110 : f32 to vector<512x512xf32>
    %add3A_112 = arith.addf %sub3A_109, %add3A_111 : vector<512x512xf32>
    %max3A_113 = arith.constant 0.000000e+00 : f32
    %max3A_114 = vector.broadcast %max3A_113 : f32 to vector<512x512xf32>
    %max3A_115 = arith.maximumf %add3A_112, %max3A_114 : vector<512x512xf32>
    %sub3A_116 = arith.subf %min3A_108, %max3A_102 : vector<512x512xf32>
    %add3A_117 = arith.constant 1.000000e+00 : f32
    %add3A_118 = vector.broadcast %add3A_117 : f32 to vector<512x512xf32>
    %add3A_119 = arith.addf %sub3A_116, %add3A_118 : vector<512x512xf32>
    %max3A_120 = arith.constant 0.000000e+00 : f32
    %max3A_121 = vector.broadcast %max3A_120 : f32 to vector<512x512xf32>
    %max3A_122 = arith.maximumf %add3A_119, %max3A_121 : vector<512x512xf32>
    %mul3A_123 = arith.mulf %max3A_115, %max3A_122 : vector<512x512xf32>
    %add3A_124 = vector.broadcast %transpose3A_97 : vector<512x1xf32> to vector<512x512xf32>
    %add3A_125 = vector.broadcast %slice3A_93 : vector<1x512xf32> to vector<512x512xf32>
    %add3A_126 = arith.addf %add3A_124, %add3A_125 : vector<512x512xf32>
    %sub3A_127 = arith.subf %add3A_126, %mul3A_123 : vector<512x512xf32>
    %div3A = arith.divf %mul3A_123, %sub3A_127 : vector<512x512xf32>
    %gt3A = arith.constant 0.699999988 : f32
    %gt3A_128 = vector.broadcast %gt3A : f32 to vector<512x512xf32>
    %gt3A_129 = arith.cmpf ogt, %div3A, %gt3A_128 : vector<512x512xf32>
    %jit3A_130 = arith.constant 1.000000e+00 : f32
    %jit3A_131 = arith.constant 0.000000e+00 : f32
    %broadcast_in_dim3A_132 = vector.broadcast %jit3A_130 : f32 to vector<512x512xf32>
    %broadcast_in_dim3A_133 = vector.broadcast %jit3A_131 : f32 to vector<512x512xf32>
    %select_n3A_134 = arith.select %gt3A_129, %broadcast_in_dim3A_132, %broadcast_in_dim3A_133 : vector<512x512xi1>, vector<512x512xf32>
    %mul3A_135 = arith.mulf %select_n3A_134, %select_n3A_88 : vector<512x512xf32>
    %slice3A_136 = vector.extract_strided_slice %select_n3A {offsets = [0, 0], sizes = [1, 512], strides = [1, 1]} : vector<1x5120xf32> to vector<1x512xf32>
    %broadcast_in_dim3A_137 = arith.constant 0.000000e+00 : f32
    %broadcast_in_dim3A_138 = vector.broadcast %broadcast_in_dim3A_137 : f32 to vector<1x512xf32>
    %while3A = arith.constant true
    %while3A_139:2 = scf.while (%while3A_1430 = %broadcast_in_dim3A_138, %while3A_1431 = %while3A) : (vector<1x512xf32>, i1) -> (vector<1x512xf32>, i1) {
      scf.condition(%while3A_1431) %while3A_1430, %while3A_1431 : vector<1x512xf32>, i1
    } do {
    ^bb0(%while3A_1430: vector<1x512xf32>, %while3A_1431: i1):
      %sub3A_1432 = arith.constant 1.000000e+00 : f32
      %sub3A_1433 = vector.broadcast %sub3A_1432 : f32 to vector<1x512xf32>
      %sub3A_1434 = arith.subf %sub3A_1433, %while3A_1430 : vector<1x512xf32>
      %mul3A_1435 = arith.mulf %slice3A_136, %sub3A_1434 : vector<1x512xf32>
      %transpose3A_1436 = tpu.transpose %mul3A_1435, [1, 0] : vector<1x512xf32> -> vector<512x1xf32>
      %mul3A_1437 = vector.broadcast %transpose3A_1436 : vector<512x1xf32> to vector<512x512xf32>
      %mul3A_1438 = arith.mulf %mul3A_135, %mul3A_1437 : vector<512x512xf32>
      %reduce_max3A_1439 = arith.constant dense<0xFF800000> : vector<512xf32>
      %reduce_max3A_1440 = vector.multi_reduction <maximumf>, %mul3A_1438, %reduce_max3A_1439 [0] : vector<512x512xf32> to vector<512xf32>
      %broadcast_in_dim3A_1441 = vector.shape_cast %reduce_max3A_1440 : vector<512xf32> to vector<1x512xf32>
      %ne3A = arith.cmpf one, %broadcast_in_dim3A_1441, %while3A_1430 : vector<1x512xf32>
      %reduce_or3A = arith.constant 1.000000e+00 : f32
      %reduce_or3A_1442 = arith.constant 0.000000e+00 : f32
      %reduce_or3A_1443 = vector.broadcast %reduce_or3A : f32 to vector<1x512xf32>
      %reduce_or3A_1444 = vector.broadcast %reduce_or3A_1442 : f32 to vector<1x512xf32>
      %reduce_or3A_1445 = arith.select %ne3A, %reduce_or3A_1443, %reduce_or3A_1444 : vector<1x512xi1>, vector<1x512xf32>
      %reduce_or3A_1446 = vector.shape_cast %reduce_or3A_1445 : vector<1x512xf32> to vector<1x1x512xf32>
      %reduce_or3A_1447 = arith.constant dense<0xFF800000> : vector<1xf32>
      %reduce_or3A_1448 = vector.multi_reduction <maximumf>, %reduce_or3A_1446, %reduce_or3A_1447 [1, 2] : vector<1x1x512xf32> to vector<1xf32>
      %reduce_or3A_1449 = vector.shape_cast %reduce_or3A_1448 : vector<1xf32> to vector<1x1x1xf32>
      %reduce_or3A_1450 = vector.extract %reduce_or3A_1449[0, 0, 0] : f32 from vector<1x1x1xf32>
      %reduce_or3A_1451 = arith.constant 0.000000e+00 : f32
      %reduce_or3A_1452 = arith.cmpf ogt, %reduce_or3A_1450, %reduce_or3A_1451 : f32
      scf.yield %broadcast_in_dim3A_1441, %reduce_or3A_1452 : vector<1x512xf32>, i1
    }
    %sub3A_140 = arith.constant 1.000000e+00 : f32
    %sub3A_141 = vector.broadcast %sub3A_140 : f32 to vector<1x512xf32>
    %sub3A_142 = arith.subf %sub3A_141, %while3A_139#0 : vector<1x512xf32>
    %mul3A_143 = arith.mulf %slice3A_136, %sub3A_142 : vector<1x512xf32>
    %ge3A = arith.constant 0 : i32
    %ge3A_144 = vector.broadcast %ge3A : i32 to vector<1x5120xi32>
    %ge3A_145 = arith.cmpi sge, %iota3A, %ge3A_144 : vector<1x5120xi32>
    %lt3A_146 = arith.constant 512 : i32
    %lt3A_147 = vector.broadcast %lt3A_146 : i32 to vector<1x5120xi32>
    %lt3A_148 = arith.cmpi slt, %iota3A, %lt3A_147 : vector<1x5120xi32>
    %and3A = arith.andi %ge3A_145, %lt3A_148 : vector<1x5120xi1>
    %jit3A_149 = arith.constant 0 : i32
    %convert_element_type3A = arith.sitofp %jit3A_149 : i32 to f32
    %pad3A = vector.broadcast %convert_element_type3A : f32 to vector<1x4608xf32>
    %pad3A_150 = tpu.concatenate %mul3A_143, %pad3A in 1 : vector<1x512xf32>, vector<1x4608xf32> -> vector<1x5120xf32>
    %slice3A_151 = vector.extract_strided_slice %sub3A_49 {offsets = [0, 512], sizes = [1, 4608], strides = [1, 1]} : vector<1x5120xf32> to vector<1x4608xf32>
    %slice3A_152 = vector.extract_strided_slice %sub3A_53 {offsets = [0, 512], sizes = [1, 4608], strides = [1, 1]} : vector<1x5120xf32> to vector<1x4608xf32>
    %slice3A_153 = vector.extract_strided_slice %sub3A_60 {offsets = [0, 512], sizes = [1, 4608], strides = [1, 1]} : vector<1x5120xf32> to vector<1x4608xf32>
    %slice3A_154 = vector.extract_strided_slice %sub3A_67 {offsets = [0, 512], sizes = [1, 4608], strides = [1, 1]} : vector<1x5120xf32> to vector<1x4608xf32>
    %slice3A_155 = vector.extract_strided_slice %mul3A_76 {offsets = [0, 512], sizes = [1, 4608], strides = [1, 1]} : vector<1x5120xf32> to vector<1x4608xf32>
    %max3A_156 = vector.broadcast %transpose3A : vector<512x1xf32> to vector<512x4608xf32>
    %max3A_157 = vector.broadcast %slice3A_151 : vector<1x4608xf32> to vector<512x4608xf32>
    %max3A_158 = arith.maximumf %max3A_156, %max3A_157 : vector<512x4608xf32>
    %max3A_159 = vector.broadcast %transpose3A_94 : vector<512x1xf32> to vector<512x4608xf32>
    %max3A_160 = vector.broadcast %slice3A_152 : vector<1x4608xf32> to vector<512x4608xf32>
    %max3A_161 = arith.maximumf %max3A_159, %max3A_160 : vector<512x4608xf32>
    %min3A_162 = vector.broadcast %transpose3A_95 : vector<512x1xf32> to vector<512x4608xf32>
    %min3A_163 = vector.broadcast %slice3A_153 : vector<1x4608xf32> to vector<512x4608xf32>
    %min3A_164 = arith.minimumf %min3A_162, %min3A_163 : vector<512x4608xf32>
    %min3A_165 = vector.broadcast %transpose3A_96 : vector<512x1xf32> to vector<512x4608xf32>
    %min3A_166 = vector.broadcast %slice3A_154 : vector<1x4608xf32> to vector<512x4608xf32>
    %min3A_167 = arith.minimumf %min3A_165, %min3A_166 : vector<512x4608xf32>
    %sub3A_168 = arith.subf %min3A_164, %max3A_158 : vector<512x4608xf32>
    %add3A_169 = arith.constant 1.000000e+00 : f32
    %add3A_170 = vector.broadcast %add3A_169 : f32 to vector<512x4608xf32>
    %add3A_171 = arith.addf %sub3A_168, %add3A_170 : vector<512x4608xf32>
    %max3A_172 = arith.constant 0.000000e+00 : f32
    %max3A_173 = vector.broadcast %max3A_172 : f32 to vector<512x4608xf32>
    %max3A_174 = arith.maximumf %add3A_171, %max3A_173 : vector<512x4608xf32>
    %sub3A_175 = arith.subf %min3A_167, %max3A_161 : vector<512x4608xf32>
    %add3A_176 = arith.constant 1.000000e+00 : f32
    %add3A_177 = vector.broadcast %add3A_176 : f32 to vector<512x4608xf32>
    %add3A_178 = arith.addf %sub3A_175, %add3A_177 : vector<512x4608xf32>
    %max3A_179 = arith.constant 0.000000e+00 : f32
    %max3A_180 = vector.broadcast %max3A_179 : f32 to vector<512x4608xf32>
    %max3A_181 = arith.maximumf %add3A_178, %max3A_180 : vector<512x4608xf32>
    %mul3A_182 = arith.mulf %max3A_174, %max3A_181 : vector<512x4608xf32>
    %add3A_183 = vector.broadcast %transpose3A_97 : vector<512x1xf32> to vector<512x4608xf32>
    %add3A_184 = vector.broadcast %slice3A_155 : vector<1x4608xf32> to vector<512x4608xf32>
    %add3A_185 = arith.addf %add3A_183, %add3A_184 : vector<512x4608xf32>
    %sub3A_186 = arith.subf %add3A_185, %mul3A_182 : vector<512x4608xf32>
    %div3A_187 = arith.divf %mul3A_182, %sub3A_186 : vector<512x4608xf32>
    %transpose3A_188 = tpu.transpose %mul3A_143, [1, 0] : vector<1x512xf32> -> vector<512x1xf32>
    %gt3A_189 = arith.constant 0.699999988 : f32
    %gt3A_190 = vector.broadcast %gt3A_189 : f32 to vector<512x4608xf32>
    %gt3A_191 = arith.cmpf ogt, %div3A_187, %gt3A_190 : vector<512x4608xf32>
    %jit3A_192 = arith.constant 1.000000e+00 : f32
    %jit3A_193 = arith.constant 0.000000e+00 : f32
    %broadcast_in_dim3A_194 = vector.broadcast %jit3A_192 : f32 to vector<512x4608xf32>
    %broadcast_in_dim3A_195 = vector.broadcast %jit3A_193 : f32 to vector<512x4608xf32>
    %select_n3A_196 = arith.select %gt3A_191, %broadcast_in_dim3A_194, %broadcast_in_dim3A_195 : vector<512x4608xi1>, vector<512x4608xf32>
    %mul3A_197 = vector.broadcast %transpose3A_188 : vector<512x1xf32> to vector<512x4608xf32>
    %mul3A_198 = arith.mulf %select_n3A_196, %mul3A_197 : vector<512x4608xf32>
    %reduce_max3A = arith.constant dense<0xFF800000> : vector<4608xf32>
    %reduce_max3A_199 = vector.multi_reduction <maximumf>, %mul3A_198, %reduce_max3A [0] : vector<512x4608xf32> to vector<4608xf32>
    %broadcast_in_dim3A_200 = vector.shape_cast %reduce_max3A_199 : vector<4608xf32> to vector<1x4608xf32>
    %jit3A_201 = arith.constant 0 : i32
    %convert_element_type3A_202 = arith.sitofp %jit3A_201 : i32 to f32
    %pad3A_203 = vector.broadcast %convert_element_type3A_202 : f32 to vector<1x512xf32>
    %pad3A_204 = tpu.concatenate %pad3A_203, %broadcast_in_dim3A_200 in 1 : vector<1x512xf32>, vector<1x4608xf32> -> vector<1x5120xf32>
    %sub3A_205 = arith.constant 1.000000e+00 : f32
    %sub3A_206 = vector.broadcast %sub3A_205 : f32 to vector<1x5120xf32>
    %sub3A_207 = arith.subf %sub3A_206, %pad3A_204 : vector<1x5120xf32>
    %mul3A_208 = arith.mulf %select_n3A, %sub3A_207 : vector<1x5120xf32>
    %select_n3A_209 = arith.select %and3A, %pad3A_150, %mul3A_208 : vector<1x5120xi1>, vector<1x5120xf32>
    %slice3A_210 = vector.extract_strided_slice %sub3A_49 {offsets = [0, 512], sizes = [1, 512], strides = [1, 1]} : vector<1x5120xf32> to vector<1x512xf32>
    %slice3A_211 = vector.extract_strided_slice %sub3A_53 {offsets = [0, 512], sizes = [1, 512], strides = [1, 1]} : vector<1x5120xf32> to vector<1x512xf32>
    %slice3A_212 = vector.extract_strided_slice %sub3A_60 {offsets = [0, 512], sizes = [1, 512], strides = [1, 1]} : vector<1x5120xf32> to vector<1x512xf32>
    %slice3A_213 = vector.extract_strided_slice %sub3A_67 {offsets = [0, 512], sizes = [1, 512], strides = [1, 1]} : vector<1x5120xf32> to vector<1x512xf32>
    %slice3A_214 = vector.extract_strided_slice %mul3A_76 {offsets = [0, 512], sizes = [1, 512], strides = [1, 1]} : vector<1x5120xf32> to vector<1x512xf32>
    %transpose3A_215 = tpu.transpose %slice3A_210, [1, 0] : vector<1x512xf32> -> vector<512x1xf32>
    %transpose3A_216 = tpu.transpose %slice3A_211, [1, 0] : vector<1x512xf32> -> vector<512x1xf32>
    %transpose3A_217 = tpu.transpose %slice3A_212, [1, 0] : vector<1x512xf32> -> vector<512x1xf32>
    %transpose3A_218 = tpu.transpose %slice3A_213, [1, 0] : vector<1x512xf32> -> vector<512x1xf32>
    %transpose3A_219 = tpu.transpose %slice3A_214, [1, 0] : vector<1x512xf32> -> vector<512x1xf32>
    %max3A_220 = vector.broadcast %transpose3A_215 : vector<512x1xf32> to vector<512x512xf32>
    %max3A_221 = vector.broadcast %slice3A_210 : vector<1x512xf32> to vector<512x512xf32>
    %max3A_222 = arith.maximumf %max3A_220, %max3A_221 : vector<512x512xf32>
    %max3A_223 = vector.broadcast %transpose3A_216 : vector<512x1xf32> to vector<512x512xf32>
    %max3A_224 = vector.broadcast %slice3A_211 : vector<1x512xf32> to vector<512x512xf32>
    %max3A_225 = arith.maximumf %max3A_223, %max3A_224 : vector<512x512xf32>
    %min3A_226 = vector.broadcast %transpose3A_217 : vector<512x1xf32> to vector<512x512xf32>
    %min3A_227 = vector.broadcast %slice3A_212 : vector<1x512xf32> to vector<512x512xf32>
    %min3A_228 = arith.minimumf %min3A_226, %min3A_227 : vector<512x512xf32>
    %min3A_229 = vector.broadcast %transpose3A_218 : vector<512x1xf32> to vector<512x512xf32>
    %min3A_230 = vector.broadcast %slice3A_213 : vector<1x512xf32> to vector<512x512xf32>
    %min3A_231 = arith.minimumf %min3A_229, %min3A_230 : vector<512x512xf32>
    %sub3A_232 = arith.subf %min3A_228, %max3A_222 : vector<512x512xf32>
    %add3A_233 = arith.constant 1.000000e+00 : f32
    %add3A_234 = vector.broadcast %add3A_233 : f32 to vector<512x512xf32>
    %add3A_235 = arith.addf %sub3A_232, %add3A_234 : vector<512x512xf32>
    %max3A_236 = arith.constant 0.000000e+00 : f32
    %max3A_237 = vector.broadcast %max3A_236 : f32 to vector<512x512xf32>
    %max3A_238 = arith.maximumf %add3A_235, %max3A_237 : vector<512x512xf32>
    %sub3A_239 = arith.subf %min3A_231, %max3A_225 : vector<512x512xf32>
    %add3A_240 = arith.constant 1.000000e+00 : f32
    %add3A_241 = vector.broadcast %add3A_240 : f32 to vector<512x512xf32>
    %add3A_242 = arith.addf %sub3A_239, %add3A_241 : vector<512x512xf32>
    %max3A_243 = arith.constant 0.000000e+00 : f32
    %max3A_244 = vector.broadcast %max3A_243 : f32 to vector<512x512xf32>
    %max3A_245 = arith.maximumf %add3A_242, %max3A_244 : vector<512x512xf32>
    %mul3A_246 = arith.mulf %max3A_238, %max3A_245 : vector<512x512xf32>
    %add3A_247 = vector.broadcast %transpose3A_219 : vector<512x1xf32> to vector<512x512xf32>
    %add3A_248 = vector.broadcast %slice3A_214 : vector<1x512xf32> to vector<512x512xf32>
    %add3A_249 = arith.addf %add3A_247, %add3A_248 : vector<512x512xf32>
    %sub3A_250 = arith.subf %add3A_249, %mul3A_246 : vector<512x512xf32>
    %div3A_251 = arith.divf %mul3A_246, %sub3A_250 : vector<512x512xf32>
    %gt3A_252 = arith.constant 0.699999988 : f32
    %gt3A_253 = vector.broadcast %gt3A_252 : f32 to vector<512x512xf32>
    %gt3A_254 = arith.cmpf ogt, %div3A_251, %gt3A_253 : vector<512x512xf32>
    %jit3A_255 = arith.constant 1.000000e+00 : f32
    %jit3A_256 = arith.constant 0.000000e+00 : f32
    %broadcast_in_dim3A_257 = vector.broadcast %jit3A_255 : f32 to vector<512x512xf32>
    %broadcast_in_dim3A_258 = vector.broadcast %jit3A_256 : f32 to vector<512x512xf32>
    %select_n3A_259 = arith.select %gt3A_254, %broadcast_in_dim3A_257, %broadcast_in_dim3A_258 : vector<512x512xi1>, vector<512x512xf32>
    %mul3A_260 = arith.mulf %select_n3A_259, %select_n3A_88 : vector<512x512xf32>
    %slice3A_261 = vector.extract_strided_slice %select_n3A_209 {offsets = [0, 512], sizes = [1, 512], strides = [1, 1]} : vector<1x5120xf32> to vector<1x512xf32>
    %broadcast_in_dim3A_262 = arith.constant 0.000000e+00 : f32
    %broadcast_in_dim3A_263 = vector.broadcast %broadcast_in_dim3A_262 : f32 to vector<1x512xf32>
    %while3A_264 = arith.constant true
    %while3A_265:2 = scf.while (%while3A_1430 = %broadcast_in_dim3A_263, %while3A_1431 = %while3A_264) : (vector<1x512xf32>, i1) -> (vector<1x512xf32>, i1) {
      scf.condition(%while3A_1431) %while3A_1430, %while3A_1431 : vector<1x512xf32>, i1
    } do {
    ^bb0(%while3A_1430: vector<1x512xf32>, %while3A_1431: i1):
      %sub3A_1432 = arith.constant 1.000000e+00 : f32
      %sub3A_1433 = vector.broadcast %sub3A_1432 : f32 to vector<1x512xf32>
      %sub3A_1434 = arith.subf %sub3A_1433, %while3A_1430 : vector<1x512xf32>
      %mul3A_1435 = arith.mulf %slice3A_261, %sub3A_1434 : vector<1x512xf32>
      %transpose3A_1436 = tpu.transpose %mul3A_1435, [1, 0] : vector<1x512xf32> -> vector<512x1xf32>
      %mul3A_1437 = vector.broadcast %transpose3A_1436 : vector<512x1xf32> to vector<512x512xf32>
      %mul3A_1438 = arith.mulf %mul3A_260, %mul3A_1437 : vector<512x512xf32>
      %reduce_max3A_1439 = arith.constant dense<0xFF800000> : vector<512xf32>
      %reduce_max3A_1440 = vector.multi_reduction <maximumf>, %mul3A_1438, %reduce_max3A_1439 [0] : vector<512x512xf32> to vector<512xf32>
      %broadcast_in_dim3A_1441 = vector.shape_cast %reduce_max3A_1440 : vector<512xf32> to vector<1x512xf32>
      %ne3A = arith.cmpf one, %broadcast_in_dim3A_1441, %while3A_1430 : vector<1x512xf32>
      %reduce_or3A = arith.constant 1.000000e+00 : f32
      %reduce_or3A_1442 = arith.constant 0.000000e+00 : f32
      %reduce_or3A_1443 = vector.broadcast %reduce_or3A : f32 to vector<1x512xf32>
      %reduce_or3A_1444 = vector.broadcast %reduce_or3A_1442 : f32 to vector<1x512xf32>
      %reduce_or3A_1445 = arith.select %ne3A, %reduce_or3A_1443, %reduce_or3A_1444 : vector<1x512xi1>, vector<1x512xf32>
      %reduce_or3A_1446 = vector.shape_cast %reduce_or3A_1445 : vector<1x512xf32> to vector<1x1x512xf32>
      %reduce_or3A_1447 = arith.constant dense<0xFF800000> : vector<1xf32>
      %reduce_or3A_1448 = vector.multi_reduction <maximumf>, %reduce_or3A_1446, %reduce_or3A_1447 [1, 2] : vector<1x1x512xf32> to vector<1xf32>
      %reduce_or3A_1449 = vector.shape_cast %reduce_or3A_1448 : vector<1xf32> to vector<1x1x1xf32>
      %reduce_or3A_1450 = vector.extract %reduce_or3A_1449[0, 0, 0] : f32 from vector<1x1x1xf32>
      %reduce_or3A_1451 = arith.constant 0.000000e+00 : f32
      %reduce_or3A_1452 = arith.cmpf ogt, %reduce_or3A_1450, %reduce_or3A_1451 : f32
      scf.yield %broadcast_in_dim3A_1441, %reduce_or3A_1452 : vector<1x512xf32>, i1
    }
    %sub3A_266 = arith.constant 1.000000e+00 : f32
    %sub3A_267 = vector.broadcast %sub3A_266 : f32 to vector<1x512xf32>
    %sub3A_268 = arith.subf %sub3A_267, %while3A_265#0 : vector<1x512xf32>
    %mul3A_269 = arith.mulf %slice3A_261, %sub3A_268 : vector<1x512xf32>
    %ge3A_270 = arith.constant 512 : i32
    %ge3A_271 = vector.broadcast %ge3A_270 : i32 to vector<1x5120xi32>
    %ge3A_272 = arith.cmpi sge, %iota3A, %ge3A_271 : vector<1x5120xi32>
    %lt3A_273 = arith.constant 1024 : i32
    %lt3A_274 = vector.broadcast %lt3A_273 : i32 to vector<1x5120xi32>
    %lt3A_275 = arith.cmpi slt, %iota3A, %lt3A_274 : vector<1x5120xi32>
    %and3A_276 = arith.andi %ge3A_272, %lt3A_275 : vector<1x5120xi1>
    %jit3A_277 = arith.constant 0 : i32
    %convert_element_type3A_278 = arith.sitofp %jit3A_277 : i32 to f32
    %pad3A_279 = vector.broadcast %convert_element_type3A_278 : f32 to vector<1x512xf32>
    %pad3A_280 = tpu.concatenate %pad3A_279, %mul3A_269 in 1 : vector<1x512xf32>, vector<1x512xf32> -> vector<1x1024xf32>
    %pad3A_281 = vector.broadcast %convert_element_type3A_278 : f32 to vector<1x4096xf32>
    %pad3A_282 = tpu.concatenate %pad3A_280, %pad3A_281 in 1 : vector<1x1024xf32>, vector<1x4096xf32> -> vector<1x5120xf32>
    %slice3A_283 = vector.extract_strided_slice %sub3A_49 {offsets = [0, 1024], sizes = [1, 4096], strides = [1, 1]} : vector<1x5120xf32> to vector<1x4096xf32>
    %slice3A_284 = vector.extract_strided_slice %sub3A_53 {offsets = [0, 1024], sizes = [1, 4096], strides = [1, 1]} : vector<1x5120xf32> to vector<1x4096xf32>
    %slice3A_285 = vector.extract_strided_slice %sub3A_60 {offsets = [0, 1024], sizes = [1, 4096], strides = [1, 1]} : vector<1x5120xf32> to vector<1x4096xf32>
    %slice3A_286 = vector.extract_strided_slice %sub3A_67 {offsets = [0, 1024], sizes = [1, 4096], strides = [1, 1]} : vector<1x5120xf32> to vector<1x4096xf32>
    %slice3A_287 = vector.extract_strided_slice %mul3A_76 {offsets = [0, 1024], sizes = [1, 4096], strides = [1, 1]} : vector<1x5120xf32> to vector<1x4096xf32>
    %max3A_288 = vector.broadcast %transpose3A_215 : vector<512x1xf32> to vector<512x4096xf32>
    %max3A_289 = vector.broadcast %slice3A_283 : vector<1x4096xf32> to vector<512x4096xf32>
    %max3A_290 = arith.maximumf %max3A_288, %max3A_289 : vector<512x4096xf32>
    %max3A_291 = vector.broadcast %transpose3A_216 : vector<512x1xf32> to vector<512x4096xf32>
    %max3A_292 = vector.broadcast %slice3A_284 : vector<1x4096xf32> to vector<512x4096xf32>
    %max3A_293 = arith.maximumf %max3A_291, %max3A_292 : vector<512x4096xf32>
    %min3A_294 = vector.broadcast %transpose3A_217 : vector<512x1xf32> to vector<512x4096xf32>
    %min3A_295 = vector.broadcast %slice3A_285 : vector<1x4096xf32> to vector<512x4096xf32>
    %min3A_296 = arith.minimumf %min3A_294, %min3A_295 : vector<512x4096xf32>
    %min3A_297 = vector.broadcast %transpose3A_218 : vector<512x1xf32> to vector<512x4096xf32>
    %min3A_298 = vector.broadcast %slice3A_286 : vector<1x4096xf32> to vector<512x4096xf32>
    %min3A_299 = arith.minimumf %min3A_297, %min3A_298 : vector<512x4096xf32>
    %sub3A_300 = arith.subf %min3A_296, %max3A_290 : vector<512x4096xf32>
    %add3A_301 = arith.constant 1.000000e+00 : f32
    %add3A_302 = vector.broadcast %add3A_301 : f32 to vector<512x4096xf32>
    %add3A_303 = arith.addf %sub3A_300, %add3A_302 : vector<512x4096xf32>
    %max3A_304 = arith.constant 0.000000e+00 : f32
    %max3A_305 = vector.broadcast %max3A_304 : f32 to vector<512x4096xf32>
    %max3A_306 = arith.maximumf %add3A_303, %max3A_305 : vector<512x4096xf32>
    %sub3A_307 = arith.subf %min3A_299, %max3A_293 : vector<512x4096xf32>
    %add3A_308 = arith.constant 1.000000e+00 : f32
    %add3A_309 = vector.broadcast %add3A_308 : f32 to vector<512x4096xf32>
    %add3A_310 = arith.addf %sub3A_307, %add3A_309 : vector<512x4096xf32>
    %max3A_311 = arith.constant 0.000000e+00 : f32
    %max3A_312 = vector.broadcast %max3A_311 : f32 to vector<512x4096xf32>
    %max3A_313 = arith.maximumf %add3A_310, %max3A_312 : vector<512x4096xf32>
    %mul3A_314 = arith.mulf %max3A_306, %max3A_313 : vector<512x4096xf32>
    %add3A_315 = vector.broadcast %transpose3A_219 : vector<512x1xf32> to vector<512x4096xf32>
    %add3A_316 = vector.broadcast %slice3A_287 : vector<1x4096xf32> to vector<512x4096xf32>
    %add3A_317 = arith.addf %add3A_315, %add3A_316 : vector<512x4096xf32>
    %sub3A_318 = arith.subf %add3A_317, %mul3A_314 : vector<512x4096xf32>
    %div3A_319 = arith.divf %mul3A_314, %sub3A_318 : vector<512x4096xf32>
    %transpose3A_320 = tpu.transpose %mul3A_269, [1, 0] : vector<1x512xf32> -> vector<512x1xf32>
    %gt3A_321 = arith.constant 0.699999988 : f32
    %gt3A_322 = vector.broadcast %gt3A_321 : f32 to vector<512x4096xf32>
    %gt3A_323 = arith.cmpf ogt, %div3A_319, %gt3A_322 : vector<512x4096xf32>
    %jit3A_324 = arith.constant 1.000000e+00 : f32
    %jit3A_325 = arith.constant 0.000000e+00 : f32
    %broadcast_in_dim3A_326 = vector.broadcast %jit3A_324 : f32 to vector<512x4096xf32>
    %broadcast_in_dim3A_327 = vector.broadcast %jit3A_325 : f32 to vector<512x4096xf32>
    %select_n3A_328 = arith.select %gt3A_323, %broadcast_in_dim3A_326, %broadcast_in_dim3A_327 : vector<512x4096xi1>, vector<512x4096xf32>
    %mul3A_329 = vector.broadcast %transpose3A_320 : vector<512x1xf32> to vector<512x4096xf32>
    %mul3A_330 = arith.mulf %select_n3A_328, %mul3A_329 : vector<512x4096xf32>
    %reduce_max3A_331 = arith.constant dense<0xFF800000> : vector<4096xf32>
    %reduce_max3A_332 = vector.multi_reduction <maximumf>, %mul3A_330, %reduce_max3A_331 [0] : vector<512x4096xf32> to vector<4096xf32>
    %broadcast_in_dim3A_333 = vector.shape_cast %reduce_max3A_332 : vector<4096xf32> to vector<1x4096xf32>
    %jit3A_334 = arith.constant 0 : i32
    %convert_element_type3A_335 = arith.sitofp %jit3A_334 : i32 to f32
    %pad3A_336 = vector.broadcast %convert_element_type3A_335 : f32 to vector<1x1024xf32>
    %pad3A_337 = tpu.concatenate %pad3A_336, %broadcast_in_dim3A_333 in 1 : vector<1x1024xf32>, vector<1x4096xf32> -> vector<1x5120xf32>
    %sub3A_338 = arith.constant 1.000000e+00 : f32
    %sub3A_339 = vector.broadcast %sub3A_338 : f32 to vector<1x5120xf32>
    %sub3A_340 = arith.subf %sub3A_339, %pad3A_337 : vector<1x5120xf32>
    %mul3A_341 = arith.mulf %select_n3A_209, %sub3A_340 : vector<1x5120xf32>
    %select_n3A_342 = arith.select %and3A_276, %pad3A_282, %mul3A_341 : vector<1x5120xi1>, vector<1x5120xf32>
    %slice3A_343 = vector.extract_strided_slice %sub3A_49 {offsets = [0, 1024], sizes = [1, 512], strides = [1, 1]} : vector<1x5120xf32> to vector<1x512xf32>
    %slice3A_344 = vector.extract_strided_slice %sub3A_53 {offsets = [0, 1024], sizes = [1, 512], strides = [1, 1]} : vector<1x5120xf32> to vector<1x512xf32>
    %slice3A_345 = vector.extract_strided_slice %sub3A_60 {offsets = [0, 1024], sizes = [1, 512], strides = [1, 1]} : vector<1x5120xf32> to vector<1x512xf32>
    %slice3A_346 = vector.extract_strided_slice %sub3A_67 {offsets = [0, 1024], sizes = [1, 512], strides = [1, 1]} : vector<1x5120xf32> to vector<1x512xf32>
    %slice3A_347 = vector.extract_strided_slice %mul3A_76 {offsets = [0, 1024], sizes = [1, 512], strides = [1, 1]} : vector<1x5120xf32> to vector<1x512xf32>
    %transpose3A_348 = tpu.transpose %slice3A_343, [1, 0] : vector<1x512xf32> -> vector<512x1xf32>
    %transpose3A_349 = tpu.transpose %slice3A_344, [1, 0] : vector<1x512xf32> -> vector<512x1xf32>
    %transpose3A_350 = tpu.transpose %slice3A_345, [1, 0] : vector<1x512xf32> -> vector<512x1xf32>
    %transpose3A_351 = tpu.transpose %slice3A_346, [1, 0] : vector<1x512xf32> -> vector<512x1xf32>
    %transpose3A_352 = tpu.transpose %slice3A_347, [1, 0] : vector<1x512xf32> -> vector<512x1xf32>
    %max3A_353 = vector.broadcast %transpose3A_348 : vector<512x1xf32> to vector<512x512xf32>
    %max3A_354 = vector.broadcast %slice3A_343 : vector<1x512xf32> to vector<512x512xf32>
    %max3A_355 = arith.maximumf %max3A_353, %max3A_354 : vector<512x512xf32>
    %max3A_356 = vector.broadcast %transpose3A_349 : vector<512x1xf32> to vector<512x512xf32>
    %max3A_357 = vector.broadcast %slice3A_344 : vector<1x512xf32> to vector<512x512xf32>
    %max3A_358 = arith.maximumf %max3A_356, %max3A_357 : vector<512x512xf32>
    %min3A_359 = vector.broadcast %transpose3A_350 : vector<512x1xf32> to vector<512x512xf32>
    %min3A_360 = vector.broadcast %slice3A_345 : vector<1x512xf32> to vector<512x512xf32>
    %min3A_361 = arith.minimumf %min3A_359, %min3A_360 : vector<512x512xf32>
    %min3A_362 = vector.broadcast %transpose3A_351 : vector<512x1xf32> to vector<512x512xf32>
    %min3A_363 = vector.broadcast %slice3A_346 : vector<1x512xf32> to vector<512x512xf32>
    %min3A_364 = arith.minimumf %min3A_362, %min3A_363 : vector<512x512xf32>
    %sub3A_365 = arith.subf %min3A_361, %max3A_355 : vector<512x512xf32>
    %add3A_366 = arith.constant 1.000000e+00 : f32
    %add3A_367 = vector.broadcast %add3A_366 : f32 to vector<512x512xf32>
    %add3A_368 = arith.addf %sub3A_365, %add3A_367 : vector<512x512xf32>
    %max3A_369 = arith.constant 0.000000e+00 : f32
    %max3A_370 = vector.broadcast %max3A_369 : f32 to vector<512x512xf32>
    %max3A_371 = arith.maximumf %add3A_368, %max3A_370 : vector<512x512xf32>
    %sub3A_372 = arith.subf %min3A_364, %max3A_358 : vector<512x512xf32>
    %add3A_373 = arith.constant 1.000000e+00 : f32
    %add3A_374 = vector.broadcast %add3A_373 : f32 to vector<512x512xf32>
    %add3A_375 = arith.addf %sub3A_372, %add3A_374 : vector<512x512xf32>
    %max3A_376 = arith.constant 0.000000e+00 : f32
    %max3A_377 = vector.broadcast %max3A_376 : f32 to vector<512x512xf32>
    %max3A_378 = arith.maximumf %add3A_375, %max3A_377 : vector<512x512xf32>
    %mul3A_379 = arith.mulf %max3A_371, %max3A_378 : vector<512x512xf32>
    %add3A_380 = vector.broadcast %transpose3A_352 : vector<512x1xf32> to vector<512x512xf32>
    %add3A_381 = vector.broadcast %slice3A_347 : vector<1x512xf32> to vector<512x512xf32>
    %add3A_382 = arith.addf %add3A_380, %add3A_381 : vector<512x512xf32>
    %sub3A_383 = arith.subf %add3A_382, %mul3A_379 : vector<512x512xf32>
    %div3A_384 = arith.divf %mul3A_379, %sub3A_383 : vector<512x512xf32>
    %gt3A_385 = arith.constant 0.699999988 : f32
    %gt3A_386 = vector.broadcast %gt3A_385 : f32 to vector<512x512xf32>
    %gt3A_387 = arith.cmpf ogt, %div3A_384, %gt3A_386 : vector<512x512xf32>
    %jit3A_388 = arith.constant 1.000000e+00 : f32
    %jit3A_389 = arith.constant 0.000000e+00 : f32
    %broadcast_in_dim3A_390 = vector.broadcast %jit3A_388 : f32 to vector<512x512xf32>
    %broadcast_in_dim3A_391 = vector.broadcast %jit3A_389 : f32 to vector<512x512xf32>
    %select_n3A_392 = arith.select %gt3A_387, %broadcast_in_dim3A_390, %broadcast_in_dim3A_391 : vector<512x512xi1>, vector<512x512xf32>
    %mul3A_393 = arith.mulf %select_n3A_392, %select_n3A_88 : vector<512x512xf32>
    %slice3A_394 = vector.extract_strided_slice %select_n3A_342 {offsets = [0, 1024], sizes = [1, 512], strides = [1, 1]} : vector<1x5120xf32> to vector<1x512xf32>
    %broadcast_in_dim3A_395 = arith.constant 0.000000e+00 : f32
    %broadcast_in_dim3A_396 = vector.broadcast %broadcast_in_dim3A_395 : f32 to vector<1x512xf32>
    %while3A_397 = arith.constant true
    %while3A_398:2 = scf.while (%while3A_1430 = %broadcast_in_dim3A_396, %while3A_1431 = %while3A_397) : (vector<1x512xf32>, i1) -> (vector<1x512xf32>, i1) {
      scf.condition(%while3A_1431) %while3A_1430, %while3A_1431 : vector<1x512xf32>, i1
    } do {
    ^bb0(%while3A_1430: vector<1x512xf32>, %while3A_1431: i1):
      %sub3A_1432 = arith.constant 1.000000e+00 : f32
      %sub3A_1433 = vector.broadcast %sub3A_1432 : f32 to vector<1x512xf32>
      %sub3A_1434 = arith.subf %sub3A_1433, %while3A_1430 : vector<1x512xf32>
      %mul3A_1435 = arith.mulf %slice3A_394, %sub3A_1434 : vector<1x512xf32>
      %transpose3A_1436 = tpu.transpose %mul3A_1435, [1, 0] : vector<1x512xf32> -> vector<512x1xf32>
      %mul3A_1437 = vector.broadcast %transpose3A_1436 : vector<512x1xf32> to vector<512x512xf32>
      %mul3A_1438 = arith.mulf %mul3A_393, %mul3A_1437 : vector<512x512xf32>
      %reduce_max3A_1439 = arith.constant dense<0xFF800000> : vector<512xf32>
      %reduce_max3A_1440 = vector.multi_reduction <maximumf>, %mul3A_1438, %reduce_max3A_1439 [0] : vector<512x512xf32> to vector<512xf32>
      %broadcast_in_dim3A_1441 = vector.shape_cast %reduce_max3A_1440 : vector<512xf32> to vector<1x512xf32>
      %ne3A = arith.cmpf one, %broadcast_in_dim3A_1441, %while3A_1430 : vector<1x512xf32>
      %reduce_or3A = arith.constant 1.000000e+00 : f32
      %reduce_or3A_1442 = arith.constant 0.000000e+00 : f32
      %reduce_or3A_1443 = vector.broadcast %reduce_or3A : f32 to vector<1x512xf32>
      %reduce_or3A_1444 = vector.broadcast %reduce_or3A_1442 : f32 to vector<1x512xf32>
      %reduce_or3A_1445 = arith.select %ne3A, %reduce_or3A_1443, %reduce_or3A_1444 : vector<1x512xi1>, vector<1x512xf32>
      %reduce_or3A_1446 = vector.shape_cast %reduce_or3A_1445 : vector<1x512xf32> to vector<1x1x512xf32>
      %reduce_or3A_1447 = arith.constant dense<0xFF800000> : vector<1xf32>
      %reduce_or3A_1448 = vector.multi_reduction <maximumf>, %reduce_or3A_1446, %reduce_or3A_1447 [1, 2] : vector<1x1x512xf32> to vector<1xf32>
      %reduce_or3A_1449 = vector.shape_cast %reduce_or3A_1448 : vector<1xf32> to vector<1x1x1xf32>
      %reduce_or3A_1450 = vector.extract %reduce_or3A_1449[0, 0, 0] : f32 from vector<1x1x1xf32>
      %reduce_or3A_1451 = arith.constant 0.000000e+00 : f32
      %reduce_or3A_1452 = arith.cmpf ogt, %reduce_or3A_1450, %reduce_or3A_1451 : f32
      scf.yield %broadcast_in_dim3A_1441, %reduce_or3A_1452 : vector<1x512xf32>, i1
    }
    %sub3A_399 = arith.constant 1.000000e+00 : f32
    %sub3A_400 = vector.broadcast %sub3A_399 : f32 to vector<1x512xf32>
    %sub3A_401 = arith.subf %sub3A_400, %while3A_398#0 : vector<1x512xf32>
    %mul3A_402 = arith.mulf %slice3A_394, %sub3A_401 : vector<1x512xf32>
    %ge3A_403 = arith.constant 1024 : i32
    %ge3A_404 = vector.broadcast %ge3A_403 : i32 to vector<1x5120xi32>
    %ge3A_405 = arith.cmpi sge, %iota3A, %ge3A_404 : vector<1x5120xi32>
    %lt3A_406 = arith.constant 1536 : i32
    %lt3A_407 = vector.broadcast %lt3A_406 : i32 to vector<1x5120xi32>
    %lt3A_408 = arith.cmpi slt, %iota3A, %lt3A_407 : vector<1x5120xi32>
    %and3A_409 = arith.andi %ge3A_405, %lt3A_408 : vector<1x5120xi1>
    %jit3A_410 = arith.constant 0 : i32
    %convert_element_type3A_411 = arith.sitofp %jit3A_410 : i32 to f32
    %pad3A_412 = vector.broadcast %convert_element_type3A_411 : f32 to vector<1x1024xf32>
    %pad3A_413 = tpu.concatenate %pad3A_412, %mul3A_402 in 1 : vector<1x1024xf32>, vector<1x512xf32> -> vector<1x1536xf32>
    %pad3A_414 = vector.broadcast %convert_element_type3A_411 : f32 to vector<1x3584xf32>
    %pad3A_415 = tpu.concatenate %pad3A_413, %pad3A_414 in 1 : vector<1x1536xf32>, vector<1x3584xf32> -> vector<1x5120xf32>
    %slice3A_416 = vector.extract_strided_slice %sub3A_49 {offsets = [0, 1536], sizes = [1, 3584], strides = [1, 1]} : vector<1x5120xf32> to vector<1x3584xf32>
    %slice3A_417 = vector.extract_strided_slice %sub3A_53 {offsets = [0, 1536], sizes = [1, 3584], strides = [1, 1]} : vector<1x5120xf32> to vector<1x3584xf32>
    %slice3A_418 = vector.extract_strided_slice %sub3A_60 {offsets = [0, 1536], sizes = [1, 3584], strides = [1, 1]} : vector<1x5120xf32> to vector<1x3584xf32>
    %slice3A_419 = vector.extract_strided_slice %sub3A_67 {offsets = [0, 1536], sizes = [1, 3584], strides = [1, 1]} : vector<1x5120xf32> to vector<1x3584xf32>
    %slice3A_420 = vector.extract_strided_slice %mul3A_76 {offsets = [0, 1536], sizes = [1, 3584], strides = [1, 1]} : vector<1x5120xf32> to vector<1x3584xf32>
    %max3A_421 = vector.broadcast %transpose3A_348 : vector<512x1xf32> to vector<512x3584xf32>
    %max3A_422 = vector.broadcast %slice3A_416 : vector<1x3584xf32> to vector<512x3584xf32>
    %max3A_423 = arith.maximumf %max3A_421, %max3A_422 : vector<512x3584xf32>
    %max3A_424 = vector.broadcast %transpose3A_349 : vector<512x1xf32> to vector<512x3584xf32>
    %max3A_425 = vector.broadcast %slice3A_417 : vector<1x3584xf32> to vector<512x3584xf32>
    %max3A_426 = arith.maximumf %max3A_424, %max3A_425 : vector<512x3584xf32>
    %min3A_427 = vector.broadcast %transpose3A_350 : vector<512x1xf32> to vector<512x3584xf32>
    %min3A_428 = vector.broadcast %slice3A_418 : vector<1x3584xf32> to vector<512x3584xf32>
    %min3A_429 = arith.minimumf %min3A_427, %min3A_428 : vector<512x3584xf32>
    %min3A_430 = vector.broadcast %transpose3A_351 : vector<512x1xf32> to vector<512x3584xf32>
    %min3A_431 = vector.broadcast %slice3A_419 : vector<1x3584xf32> to vector<512x3584xf32>
    %min3A_432 = arith.minimumf %min3A_430, %min3A_431 : vector<512x3584xf32>
    %sub3A_433 = arith.subf %min3A_429, %max3A_423 : vector<512x3584xf32>
    %add3A_434 = arith.constant 1.000000e+00 : f32
    %add3A_435 = vector.broadcast %add3A_434 : f32 to vector<512x3584xf32>
    %add3A_436 = arith.addf %sub3A_433, %add3A_435 : vector<512x3584xf32>
    %max3A_437 = arith.constant 0.000000e+00 : f32
    %max3A_438 = vector.broadcast %max3A_437 : f32 to vector<512x3584xf32>
    %max3A_439 = arith.maximumf %add3A_436, %max3A_438 : vector<512x3584xf32>
    %sub3A_440 = arith.subf %min3A_432, %max3A_426 : vector<512x3584xf32>
    %add3A_441 = arith.constant 1.000000e+00 : f32
    %add3A_442 = vector.broadcast %add3A_441 : f32 to vector<512x3584xf32>
    %add3A_443 = arith.addf %sub3A_440, %add3A_442 : vector<512x3584xf32>
    %max3A_444 = arith.constant 0.000000e+00 : f32
    %max3A_445 = vector.broadcast %max3A_444 : f32 to vector<512x3584xf32>
    %max3A_446 = arith.maximumf %add3A_443, %max3A_445 : vector<512x3584xf32>
    %mul3A_447 = arith.mulf %max3A_439, %max3A_446 : vector<512x3584xf32>
    %add3A_448 = vector.broadcast %transpose3A_352 : vector<512x1xf32> to vector<512x3584xf32>
    %add3A_449 = vector.broadcast %slice3A_420 : vector<1x3584xf32> to vector<512x3584xf32>
    %add3A_450 = arith.addf %add3A_448, %add3A_449 : vector<512x3584xf32>
    %sub3A_451 = arith.subf %add3A_450, %mul3A_447 : vector<512x3584xf32>
    %div3A_452 = arith.divf %mul3A_447, %sub3A_451 : vector<512x3584xf32>
    %transpose3A_453 = tpu.transpose %mul3A_402, [1, 0] : vector<1x512xf32> -> vector<512x1xf32>
    %gt3A_454 = arith.constant 0.699999988 : f32
    %gt3A_455 = vector.broadcast %gt3A_454 : f32 to vector<512x3584xf32>
    %gt3A_456 = arith.cmpf ogt, %div3A_452, %gt3A_455 : vector<512x3584xf32>
    %jit3A_457 = arith.constant 1.000000e+00 : f32
    %jit3A_458 = arith.constant 0.000000e+00 : f32
    %broadcast_in_dim3A_459 = vector.broadcast %jit3A_457 : f32 to vector<512x3584xf32>
    %broadcast_in_dim3A_460 = vector.broadcast %jit3A_458 : f32 to vector<512x3584xf32>
    %select_n3A_461 = arith.select %gt3A_456, %broadcast_in_dim3A_459, %broadcast_in_dim3A_460 : vector<512x3584xi1>, vector<512x3584xf32>
    %mul3A_462 = vector.broadcast %transpose3A_453 : vector<512x1xf32> to vector<512x3584xf32>
    %mul3A_463 = arith.mulf %select_n3A_461, %mul3A_462 : vector<512x3584xf32>
    %reduce_max3A_464 = arith.constant dense<0xFF800000> : vector<3584xf32>
    %reduce_max3A_465 = vector.multi_reduction <maximumf>, %mul3A_463, %reduce_max3A_464 [0] : vector<512x3584xf32> to vector<3584xf32>
    %broadcast_in_dim3A_466 = vector.shape_cast %reduce_max3A_465 : vector<3584xf32> to vector<1x3584xf32>
    %jit3A_467 = arith.constant 0 : i32
    %convert_element_type3A_468 = arith.sitofp %jit3A_467 : i32 to f32
    %pad3A_469 = vector.broadcast %convert_element_type3A_468 : f32 to vector<1x1536xf32>
    %pad3A_470 = tpu.concatenate %pad3A_469, %broadcast_in_dim3A_466 in 1 : vector<1x1536xf32>, vector<1x3584xf32> -> vector<1x5120xf32>
    %sub3A_471 = arith.constant 1.000000e+00 : f32
    %sub3A_472 = vector.broadcast %sub3A_471 : f32 to vector<1x5120xf32>
    %sub3A_473 = arith.subf %sub3A_472, %pad3A_470 : vector<1x5120xf32>
    %mul3A_474 = arith.mulf %select_n3A_342, %sub3A_473 : vector<1x5120xf32>
    %select_n3A_475 = arith.select %and3A_409, %pad3A_415, %mul3A_474 : vector<1x5120xi1>, vector<1x5120xf32>
    %slice3A_476 = vector.extract_strided_slice %sub3A_49 {offsets = [0, 1536], sizes = [1, 512], strides = [1, 1]} : vector<1x5120xf32> to vector<1x512xf32>
    %slice3A_477 = vector.extract_strided_slice %sub3A_53 {offsets = [0, 1536], sizes = [1, 512], strides = [1, 1]} : vector<1x5120xf32> to vector<1x512xf32>
    %slice3A_478 = vector.extract_strided_slice %sub3A_60 {offsets = [0, 1536], sizes = [1, 512], strides = [1, 1]} : vector<1x5120xf32> to vector<1x512xf32>
    %slice3A_479 = vector.extract_strided_slice %sub3A_67 {offsets = [0, 1536], sizes = [1, 512], strides = [1, 1]} : vector<1x5120xf32> to vector<1x512xf32>
    %slice3A_480 = vector.extract_strided_slice %mul3A_76 {offsets = [0, 1536], sizes = [1, 512], strides = [1, 1]} : vector<1x5120xf32> to vector<1x512xf32>
    %transpose3A_481 = tpu.transpose %slice3A_476, [1, 0] : vector<1x512xf32> -> vector<512x1xf32>
    %transpose3A_482 = tpu.transpose %slice3A_477, [1, 0] : vector<1x512xf32> -> vector<512x1xf32>
    %transpose3A_483 = tpu.transpose %slice3A_478, [1, 0] : vector<1x512xf32> -> vector<512x1xf32>
    %transpose3A_484 = tpu.transpose %slice3A_479, [1, 0] : vector<1x512xf32> -> vector<512x1xf32>
    %transpose3A_485 = tpu.transpose %slice3A_480, [1, 0] : vector<1x512xf32> -> vector<512x1xf32>
    %max3A_486 = vector.broadcast %transpose3A_481 : vector<512x1xf32> to vector<512x512xf32>
    %max3A_487 = vector.broadcast %slice3A_476 : vector<1x512xf32> to vector<512x512xf32>
    %max3A_488 = arith.maximumf %max3A_486, %max3A_487 : vector<512x512xf32>
    %max3A_489 = vector.broadcast %transpose3A_482 : vector<512x1xf32> to vector<512x512xf32>
    %max3A_490 = vector.broadcast %slice3A_477 : vector<1x512xf32> to vector<512x512xf32>
    %max3A_491 = arith.maximumf %max3A_489, %max3A_490 : vector<512x512xf32>
    %min3A_492 = vector.broadcast %transpose3A_483 : vector<512x1xf32> to vector<512x512xf32>
    %min3A_493 = vector.broadcast %slice3A_478 : vector<1x512xf32> to vector<512x512xf32>
    %min3A_494 = arith.minimumf %min3A_492, %min3A_493 : vector<512x512xf32>
    %min3A_495 = vector.broadcast %transpose3A_484 : vector<512x1xf32> to vector<512x512xf32>
    %min3A_496 = vector.broadcast %slice3A_479 : vector<1x512xf32> to vector<512x512xf32>
    %min3A_497 = arith.minimumf %min3A_495, %min3A_496 : vector<512x512xf32>
    %sub3A_498 = arith.subf %min3A_494, %max3A_488 : vector<512x512xf32>
    %add3A_499 = arith.constant 1.000000e+00 : f32
    %add3A_500 = vector.broadcast %add3A_499 : f32 to vector<512x512xf32>
    %add3A_501 = arith.addf %sub3A_498, %add3A_500 : vector<512x512xf32>
    %max3A_502 = arith.constant 0.000000e+00 : f32
    %max3A_503 = vector.broadcast %max3A_502 : f32 to vector<512x512xf32>
    %max3A_504 = arith.maximumf %add3A_501, %max3A_503 : vector<512x512xf32>
    %sub3A_505 = arith.subf %min3A_497, %max3A_491 : vector<512x512xf32>
    %add3A_506 = arith.constant 1.000000e+00 : f32
    %add3A_507 = vector.broadcast %add3A_506 : f32 to vector<512x512xf32>
    %add3A_508 = arith.addf %sub3A_505, %add3A_507 : vector<512x512xf32>
    %max3A_509 = arith.constant 0.000000e+00 : f32
    %max3A_510 = vector.broadcast %max3A_509 : f32 to vector<512x512xf32>
    %max3A_511 = arith.maximumf %add3A_508, %max3A_510 : vector<512x512xf32>
    %mul3A_512 = arith.mulf %max3A_504, %max3A_511 : vector<512x512xf32>
    %add3A_513 = vector.broadcast %transpose3A_485 : vector<512x1xf32> to vector<512x512xf32>
    %add3A_514 = vector.broadcast %slice3A_480 : vector<1x512xf32> to vector<512x512xf32>
    %add3A_515 = arith.addf %add3A_513, %add3A_514 : vector<512x512xf32>
    %sub3A_516 = arith.subf %add3A_515, %mul3A_512 : vector<512x512xf32>
    %div3A_517 = arith.divf %mul3A_512, %sub3A_516 : vector<512x512xf32>
    %gt3A_518 = arith.constant 0.699999988 : f32
    %gt3A_519 = vector.broadcast %gt3A_518 : f32 to vector<512x512xf32>
    %gt3A_520 = arith.cmpf ogt, %div3A_517, %gt3A_519 : vector<512x512xf32>
    %jit3A_521 = arith.constant 1.000000e+00 : f32
    %jit3A_522 = arith.constant 0.000000e+00 : f32
    %broadcast_in_dim3A_523 = vector.broadcast %jit3A_521 : f32 to vector<512x512xf32>
    %broadcast_in_dim3A_524 = vector.broadcast %jit3A_522 : f32 to vector<512x512xf32>
    %select_n3A_525 = arith.select %gt3A_520, %broadcast_in_dim3A_523, %broadcast_in_dim3A_524 : vector<512x512xi1>, vector<512x512xf32>
    %mul3A_526 = arith.mulf %select_n3A_525, %select_n3A_88 : vector<512x512xf32>
    %slice3A_527 = vector.extract_strided_slice %select_n3A_475 {offsets = [0, 1536], sizes = [1, 512], strides = [1, 1]} : vector<1x5120xf32> to vector<1x512xf32>
    %broadcast_in_dim3A_528 = arith.constant 0.000000e+00 : f32
    %broadcast_in_dim3A_529 = vector.broadcast %broadcast_in_dim3A_528 : f32 to vector<1x512xf32>
    %while3A_530 = arith.constant true
    %while3A_531:2 = scf.while (%while3A_1430 = %broadcast_in_dim3A_529, %while3A_1431 = %while3A_530) : (vector<1x512xf32>, i1) -> (vector<1x512xf32>, i1) {
      scf.condition(%while3A_1431) %while3A_1430, %while3A_1431 : vector<1x512xf32>, i1
    } do {
    ^bb0(%while3A_1430: vector<1x512xf32>, %while3A_1431: i1):
      %sub3A_1432 = arith.constant 1.000000e+00 : f32
      %sub3A_1433 = vector.broadcast %sub3A_1432 : f32 to vector<1x512xf32>
      %sub3A_1434 = arith.subf %sub3A_1433, %while3A_1430 : vector<1x512xf32>
      %mul3A_1435 = arith.mulf %slice3A_527, %sub3A_1434 : vector<1x512xf32>
      %transpose3A_1436 = tpu.transpose %mul3A_1435, [1, 0] : vector<1x512xf32> -> vector<512x1xf32>
      %mul3A_1437 = vector.broadcast %transpose3A_1436 : vector<512x1xf32> to vector<512x512xf32>
      %mul3A_1438 = arith.mulf %mul3A_526, %mul3A_1437 : vector<512x512xf32>
      %reduce_max3A_1439 = arith.constant dense<0xFF800000> : vector<512xf32>
      %reduce_max3A_1440 = vector.multi_reduction <maximumf>, %mul3A_1438, %reduce_max3A_1439 [0] : vector<512x512xf32> to vector<512xf32>
      %broadcast_in_dim3A_1441 = vector.shape_cast %reduce_max3A_1440 : vector<512xf32> to vector<1x512xf32>
      %ne3A = arith.cmpf one, %broadcast_in_dim3A_1441, %while3A_1430 : vector<1x512xf32>
      %reduce_or3A = arith.constant 1.000000e+00 : f32
      %reduce_or3A_1442 = arith.constant 0.000000e+00 : f32
      %reduce_or3A_1443 = vector.broadcast %reduce_or3A : f32 to vector<1x512xf32>
      %reduce_or3A_1444 = vector.broadcast %reduce_or3A_1442 : f32 to vector<1x512xf32>
      %reduce_or3A_1445 = arith.select %ne3A, %reduce_or3A_1443, %reduce_or3A_1444 : vector<1x512xi1>, vector<1x512xf32>
      %reduce_or3A_1446 = vector.shape_cast %reduce_or3A_1445 : vector<1x512xf32> to vector<1x1x512xf32>
      %reduce_or3A_1447 = arith.constant dense<0xFF800000> : vector<1xf32>
      %reduce_or3A_1448 = vector.multi_reduction <maximumf>, %reduce_or3A_1446, %reduce_or3A_1447 [1, 2] : vector<1x1x512xf32> to vector<1xf32>
      %reduce_or3A_1449 = vector.shape_cast %reduce_or3A_1448 : vector<1xf32> to vector<1x1x1xf32>
      %reduce_or3A_1450 = vector.extract %reduce_or3A_1449[0, 0, 0] : f32 from vector<1x1x1xf32>
      %reduce_or3A_1451 = arith.constant 0.000000e+00 : f32
      %reduce_or3A_1452 = arith.cmpf ogt, %reduce_or3A_1450, %reduce_or3A_1451 : f32
      scf.yield %broadcast_in_dim3A_1441, %reduce_or3A_1452 : vector<1x512xf32>, i1
    }
    %sub3A_532 = arith.constant 1.000000e+00 : f32
    %sub3A_533 = vector.broadcast %sub3A_532 : f32 to vector<1x512xf32>
    %sub3A_534 = arith.subf %sub3A_533, %while3A_531#0 : vector<1x512xf32>
    %mul3A_535 = arith.mulf %slice3A_527, %sub3A_534 : vector<1x512xf32>
    %ge3A_536 = arith.constant 1536 : i32
    %ge3A_537 = vector.broadcast %ge3A_536 : i32 to vector<1x5120xi32>
    %ge3A_538 = arith.cmpi sge, %iota3A, %ge3A_537 : vector<1x5120xi32>
    %lt3A_539 = arith.constant 2048 : i32
    %lt3A_540 = vector.broadcast %lt3A_539 : i32 to vector<1x5120xi32>
    %lt3A_541 = arith.cmpi slt, %iota3A, %lt3A_540 : vector<1x5120xi32>
    %and3A_542 = arith.andi %ge3A_538, %lt3A_541 : vector<1x5120xi1>
    %jit3A_543 = arith.constant 0 : i32
    %convert_element_type3A_544 = arith.sitofp %jit3A_543 : i32 to f32
    %pad3A_545 = vector.broadcast %convert_element_type3A_544 : f32 to vector<1x1536xf32>
    %pad3A_546 = tpu.concatenate %pad3A_545, %mul3A_535 in 1 : vector<1x1536xf32>, vector<1x512xf32> -> vector<1x2048xf32>
    %pad3A_547 = vector.broadcast %convert_element_type3A_544 : f32 to vector<1x3072xf32>
    %pad3A_548 = tpu.concatenate %pad3A_546, %pad3A_547 in 1 : vector<1x2048xf32>, vector<1x3072xf32> -> vector<1x5120xf32>
    %slice3A_549 = vector.extract_strided_slice %sub3A_49 {offsets = [0, 2048], sizes = [1, 3072], strides = [1, 1]} : vector<1x5120xf32> to vector<1x3072xf32>
    %slice3A_550 = vector.extract_strided_slice %sub3A_53 {offsets = [0, 2048], sizes = [1, 3072], strides = [1, 1]} : vector<1x5120xf32> to vector<1x3072xf32>
    %slice3A_551 = vector.extract_strided_slice %sub3A_60 {offsets = [0, 2048], sizes = [1, 3072], strides = [1, 1]} : vector<1x5120xf32> to vector<1x3072xf32>
    %slice3A_552 = vector.extract_strided_slice %sub3A_67 {offsets = [0, 2048], sizes = [1, 3072], strides = [1, 1]} : vector<1x5120xf32> to vector<1x3072xf32>
    %slice3A_553 = vector.extract_strided_slice %mul3A_76 {offsets = [0, 2048], sizes = [1, 3072], strides = [1, 1]} : vector<1x5120xf32> to vector<1x3072xf32>
    %max3A_554 = vector.broadcast %transpose3A_481 : vector<512x1xf32> to vector<512x3072xf32>
    %max3A_555 = vector.broadcast %slice3A_549 : vector<1x3072xf32> to vector<512x3072xf32>
    %max3A_556 = arith.maximumf %max3A_554, %max3A_555 : vector<512x3072xf32>
    %max3A_557 = vector.broadcast %transpose3A_482 : vector<512x1xf32> to vector<512x3072xf32>
    %max3A_558 = vector.broadcast %slice3A_550 : vector<1x3072xf32> to vector<512x3072xf32>
    %max3A_559 = arith.maximumf %max3A_557, %max3A_558 : vector<512x3072xf32>
    %min3A_560 = vector.broadcast %transpose3A_483 : vector<512x1xf32> to vector<512x3072xf32>
    %min3A_561 = vector.broadcast %slice3A_551 : vector<1x3072xf32> to vector<512x3072xf32>
    %min3A_562 = arith.minimumf %min3A_560, %min3A_561 : vector<512x3072xf32>
    %min3A_563 = vector.broadcast %transpose3A_484 : vector<512x1xf32> to vector<512x3072xf32>
    %min3A_564 = vector.broadcast %slice3A_552 : vector<1x3072xf32> to vector<512x3072xf32>
    %min3A_565 = arith.minimumf %min3A_563, %min3A_564 : vector<512x3072xf32>
    %sub3A_566 = arith.subf %min3A_562, %max3A_556 : vector<512x3072xf32>
    %add3A_567 = arith.constant 1.000000e+00 : f32
    %add3A_568 = vector.broadcast %add3A_567 : f32 to vector<512x3072xf32>
    %add3A_569 = arith.addf %sub3A_566, %add3A_568 : vector<512x3072xf32>
    %max3A_570 = arith.constant 0.000000e+00 : f32
    %max3A_571 = vector.broadcast %max3A_570 : f32 to vector<512x3072xf32>
    %max3A_572 = arith.maximumf %add3A_569, %max3A_571 : vector<512x3072xf32>
    %sub3A_573 = arith.subf %min3A_565, %max3A_559 : vector<512x3072xf32>
    %add3A_574 = arith.constant 1.000000e+00 : f32
    %add3A_575 = vector.broadcast %add3A_574 : f32 to vector<512x3072xf32>
    %add3A_576 = arith.addf %sub3A_573, %add3A_575 : vector<512x3072xf32>
    %max3A_577 = arith.constant 0.000000e+00 : f32
    %max3A_578 = vector.broadcast %max3A_577 : f32 to vector<512x3072xf32>
    %max3A_579 = arith.maximumf %add3A_576, %max3A_578 : vector<512x3072xf32>
    %mul3A_580 = arith.mulf %max3A_572, %max3A_579 : vector<512x3072xf32>
    %add3A_581 = vector.broadcast %transpose3A_485 : vector<512x1xf32> to vector<512x3072xf32>
    %add3A_582 = vector.broadcast %slice3A_553 : vector<1x3072xf32> to vector<512x3072xf32>
    %add3A_583 = arith.addf %add3A_581, %add3A_582 : vector<512x3072xf32>
    %sub3A_584 = arith.subf %add3A_583, %mul3A_580 : vector<512x3072xf32>
    %div3A_585 = arith.divf %mul3A_580, %sub3A_584 : vector<512x3072xf32>
    %transpose3A_586 = tpu.transpose %mul3A_535, [1, 0] : vector<1x512xf32> -> vector<512x1xf32>
    %gt3A_587 = arith.constant 0.699999988 : f32
    %gt3A_588 = vector.broadcast %gt3A_587 : f32 to vector<512x3072xf32>
    %gt3A_589 = arith.cmpf ogt, %div3A_585, %gt3A_588 : vector<512x3072xf32>
    %jit3A_590 = arith.constant 1.000000e+00 : f32
    %jit3A_591 = arith.constant 0.000000e+00 : f32
    %broadcast_in_dim3A_592 = vector.broadcast %jit3A_590 : f32 to vector<512x3072xf32>
    %broadcast_in_dim3A_593 = vector.broadcast %jit3A_591 : f32 to vector<512x3072xf32>
    %select_n3A_594 = arith.select %gt3A_589, %broadcast_in_dim3A_592, %broadcast_in_dim3A_593 : vector<512x3072xi1>, vector<512x3072xf32>
    %mul3A_595 = vector.broadcast %transpose3A_586 : vector<512x1xf32> to vector<512x3072xf32>
    %mul3A_596 = arith.mulf %select_n3A_594, %mul3A_595 : vector<512x3072xf32>
    %reduce_max3A_597 = arith.constant dense<0xFF800000> : vector<3072xf32>
    %reduce_max3A_598 = vector.multi_reduction <maximumf>, %mul3A_596, %reduce_max3A_597 [0] : vector<512x3072xf32> to vector<3072xf32>
    %broadcast_in_dim3A_599 = vector.shape_cast %reduce_max3A_598 : vector<3072xf32> to vector<1x3072xf32>
    %jit3A_600 = arith.constant 0 : i32
    %convert_element_type3A_601 = arith.sitofp %jit3A_600 : i32 to f32
    %pad3A_602 = vector.broadcast %convert_element_type3A_601 : f32 to vector<1x2048xf32>
    %pad3A_603 = tpu.concatenate %pad3A_602, %broadcast_in_dim3A_599 in 1 : vector<1x2048xf32>, vector<1x3072xf32> -> vector<1x5120xf32>
    %sub3A_604 = arith.constant 1.000000e+00 : f32
    %sub3A_605 = vector.broadcast %sub3A_604 : f32 to vector<1x5120xf32>
    %sub3A_606 = arith.subf %sub3A_605, %pad3A_603 : vector<1x5120xf32>
    %mul3A_607 = arith.mulf %select_n3A_475, %sub3A_606 : vector<1x5120xf32>
    %select_n3A_608 = arith.select %and3A_542, %pad3A_548, %mul3A_607 : vector<1x5120xi1>, vector<1x5120xf32>
    %slice3A_609 = vector.extract_strided_slice %sub3A_49 {offsets = [0, 2048], sizes = [1, 512], strides = [1, 1]} : vector<1x5120xf32> to vector<1x512xf32>
    %slice3A_610 = vector.extract_strided_slice %sub3A_53 {offsets = [0, 2048], sizes = [1, 512], strides = [1, 1]} : vector<1x5120xf32> to vector<1x512xf32>
    %slice3A_611 = vector.extract_strided_slice %sub3A_60 {offsets = [0, 2048], sizes = [1, 512], strides = [1, 1]} : vector<1x5120xf32> to vector<1x512xf32>
    %slice3A_612 = vector.extract_strided_slice %sub3A_67 {offsets = [0, 2048], sizes = [1, 512], strides = [1, 1]} : vector<1x5120xf32> to vector<1x512xf32>
    %slice3A_613 = vector.extract_strided_slice %mul3A_76 {offsets = [0, 2048], sizes = [1, 512], strides = [1, 1]} : vector<1x5120xf32> to vector<1x512xf32>
    %transpose3A_614 = tpu.transpose %slice3A_609, [1, 0] : vector<1x512xf32> -> vector<512x1xf32>
    %transpose3A_615 = tpu.transpose %slice3A_610, [1, 0] : vector<1x512xf32> -> vector<512x1xf32>
    %transpose3A_616 = tpu.transpose %slice3A_611, [1, 0] : vector<1x512xf32> -> vector<512x1xf32>
    %transpose3A_617 = tpu.transpose %slice3A_612, [1, 0] : vector<1x512xf32> -> vector<512x1xf32>
    %transpose3A_618 = tpu.transpose %slice3A_613, [1, 0] : vector<1x512xf32> -> vector<512x1xf32>
    %max3A_619 = vector.broadcast %transpose3A_614 : vector<512x1xf32> to vector<512x512xf32>
    %max3A_620 = vector.broadcast %slice3A_609 : vector<1x512xf32> to vector<512x512xf32>
    %max3A_621 = arith.maximumf %max3A_619, %max3A_620 : vector<512x512xf32>
    %max3A_622 = vector.broadcast %transpose3A_615 : vector<512x1xf32> to vector<512x512xf32>
    %max3A_623 = vector.broadcast %slice3A_610 : vector<1x512xf32> to vector<512x512xf32>
    %max3A_624 = arith.maximumf %max3A_622, %max3A_623 : vector<512x512xf32>
    %min3A_625 = vector.broadcast %transpose3A_616 : vector<512x1xf32> to vector<512x512xf32>
    %min3A_626 = vector.broadcast %slice3A_611 : vector<1x512xf32> to vector<512x512xf32>
    %min3A_627 = arith.minimumf %min3A_625, %min3A_626 : vector<512x512xf32>
    %min3A_628 = vector.broadcast %transpose3A_617 : vector<512x1xf32> to vector<512x512xf32>
    %min3A_629 = vector.broadcast %slice3A_612 : vector<1x512xf32> to vector<512x512xf32>
    %min3A_630 = arith.minimumf %min3A_628, %min3A_629 : vector<512x512xf32>
    %sub3A_631 = arith.subf %min3A_627, %max3A_621 : vector<512x512xf32>
    %add3A_632 = arith.constant 1.000000e+00 : f32
    %add3A_633 = vector.broadcast %add3A_632 : f32 to vector<512x512xf32>
    %add3A_634 = arith.addf %sub3A_631, %add3A_633 : vector<512x512xf32>
    %max3A_635 = arith.constant 0.000000e+00 : f32
    %max3A_636 = vector.broadcast %max3A_635 : f32 to vector<512x512xf32>
    %max3A_637 = arith.maximumf %add3A_634, %max3A_636 : vector<512x512xf32>
    %sub3A_638 = arith.subf %min3A_630, %max3A_624 : vector<512x512xf32>
    %add3A_639 = arith.constant 1.000000e+00 : f32
    %add3A_640 = vector.broadcast %add3A_639 : f32 to vector<512x512xf32>
    %add3A_641 = arith.addf %sub3A_638, %add3A_640 : vector<512x512xf32>
    %max3A_642 = arith.constant 0.000000e+00 : f32
    %max3A_643 = vector.broadcast %max3A_642 : f32 to vector<512x512xf32>
    %max3A_644 = arith.maximumf %add3A_641, %max3A_643 : vector<512x512xf32>
    %mul3A_645 = arith.mulf %max3A_637, %max3A_644 : vector<512x512xf32>
    %add3A_646 = vector.broadcast %transpose3A_618 : vector<512x1xf32> to vector<512x512xf32>
    %add3A_647 = vector.broadcast %slice3A_613 : vector<1x512xf32> to vector<512x512xf32>
    %add3A_648 = arith.addf %add3A_646, %add3A_647 : vector<512x512xf32>
    %sub3A_649 = arith.subf %add3A_648, %mul3A_645 : vector<512x512xf32>
    %div3A_650 = arith.divf %mul3A_645, %sub3A_649 : vector<512x512xf32>
    %gt3A_651 = arith.constant 0.699999988 : f32
    %gt3A_652 = vector.broadcast %gt3A_651 : f32 to vector<512x512xf32>
    %gt3A_653 = arith.cmpf ogt, %div3A_650, %gt3A_652 : vector<512x512xf32>
    %jit3A_654 = arith.constant 1.000000e+00 : f32
    %jit3A_655 = arith.constant 0.000000e+00 : f32
    %broadcast_in_dim3A_656 = vector.broadcast %jit3A_654 : f32 to vector<512x512xf32>
    %broadcast_in_dim3A_657 = vector.broadcast %jit3A_655 : f32 to vector<512x512xf32>
    %select_n3A_658 = arith.select %gt3A_653, %broadcast_in_dim3A_656, %broadcast_in_dim3A_657 : vector<512x512xi1>, vector<512x512xf32>
    %mul3A_659 = arith.mulf %select_n3A_658, %select_n3A_88 : vector<512x512xf32>
    %slice3A_660 = vector.extract_strided_slice %select_n3A_608 {offsets = [0, 2048], sizes = [1, 512], strides = [1, 1]} : vector<1x5120xf32> to vector<1x512xf32>
    %broadcast_in_dim3A_661 = arith.constant 0.000000e+00 : f32
    %broadcast_in_dim3A_662 = vector.broadcast %broadcast_in_dim3A_661 : f32 to vector<1x512xf32>
    %while3A_663 = arith.constant true
    %while3A_664:2 = scf.while (%while3A_1430 = %broadcast_in_dim3A_662, %while3A_1431 = %while3A_663) : (vector<1x512xf32>, i1) -> (vector<1x512xf32>, i1) {
      scf.condition(%while3A_1431) %while3A_1430, %while3A_1431 : vector<1x512xf32>, i1
    } do {
    ^bb0(%while3A_1430: vector<1x512xf32>, %while3A_1431: i1):
      %sub3A_1432 = arith.constant 1.000000e+00 : f32
      %sub3A_1433 = vector.broadcast %sub3A_1432 : f32 to vector<1x512xf32>
      %sub3A_1434 = arith.subf %sub3A_1433, %while3A_1430 : vector<1x512xf32>
      %mul3A_1435 = arith.mulf %slice3A_660, %sub3A_1434 : vector<1x512xf32>
      %transpose3A_1436 = tpu.transpose %mul3A_1435, [1, 0] : vector<1x512xf32> -> vector<512x1xf32>
      %mul3A_1437 = vector.broadcast %transpose3A_1436 : vector<512x1xf32> to vector<512x512xf32>
      %mul3A_1438 = arith.mulf %mul3A_659, %mul3A_1437 : vector<512x512xf32>
      %reduce_max3A_1439 = arith.constant dense<0xFF800000> : vector<512xf32>
      %reduce_max3A_1440 = vector.multi_reduction <maximumf>, %mul3A_1438, %reduce_max3A_1439 [0] : vector<512x512xf32> to vector<512xf32>
      %broadcast_in_dim3A_1441 = vector.shape_cast %reduce_max3A_1440 : vector<512xf32> to vector<1x512xf32>
      %ne3A = arith.cmpf one, %broadcast_in_dim3A_1441, %while3A_1430 : vector<1x512xf32>
      %reduce_or3A = arith.constant 1.000000e+00 : f32
      %reduce_or3A_1442 = arith.constant 0.000000e+00 : f32
      %reduce_or3A_1443 = vector.broadcast %reduce_or3A : f32 to vector<1x512xf32>
      %reduce_or3A_1444 = vector.broadcast %reduce_or3A_1442 : f32 to vector<1x512xf32>
      %reduce_or3A_1445 = arith.select %ne3A, %reduce_or3A_1443, %reduce_or3A_1444 : vector<1x512xi1>, vector<1x512xf32>
      %reduce_or3A_1446 = vector.shape_cast %reduce_or3A_1445 : vector<1x512xf32> to vector<1x1x512xf32>
      %reduce_or3A_1447 = arith.constant dense<0xFF800000> : vector<1xf32>
      %reduce_or3A_1448 = vector.multi_reduction <maximumf>, %reduce_or3A_1446, %reduce_or3A_1447 [1, 2] : vector<1x1x512xf32> to vector<1xf32>
      %reduce_or3A_1449 = vector.shape_cast %reduce_or3A_1448 : vector<1xf32> to vector<1x1x1xf32>
      %reduce_or3A_1450 = vector.extract %reduce_or3A_1449[0, 0, 0] : f32 from vector<1x1x1xf32>
      %reduce_or3A_1451 = arith.constant 0.000000e+00 : f32
      %reduce_or3A_1452 = arith.cmpf ogt, %reduce_or3A_1450, %reduce_or3A_1451 : f32
      scf.yield %broadcast_in_dim3A_1441, %reduce_or3A_1452 : vector<1x512xf32>, i1
    }
    %sub3A_665 = arith.constant 1.000000e+00 : f32
    %sub3A_666 = vector.broadcast %sub3A_665 : f32 to vector<1x512xf32>
    %sub3A_667 = arith.subf %sub3A_666, %while3A_664#0 : vector<1x512xf32>
    %mul3A_668 = arith.mulf %slice3A_660, %sub3A_667 : vector<1x512xf32>
    %ge3A_669 = arith.constant 2048 : i32
    %ge3A_670 = vector.broadcast %ge3A_669 : i32 to vector<1x5120xi32>
    %ge3A_671 = arith.cmpi sge, %iota3A, %ge3A_670 : vector<1x5120xi32>
    %lt3A_672 = arith.constant 2560 : i32
    %lt3A_673 = vector.broadcast %lt3A_672 : i32 to vector<1x5120xi32>
    %lt3A_674 = arith.cmpi slt, %iota3A, %lt3A_673 : vector<1x5120xi32>
    %and3A_675 = arith.andi %ge3A_671, %lt3A_674 : vector<1x5120xi1>
    %jit3A_676 = arith.constant 0 : i32
    %convert_element_type3A_677 = arith.sitofp %jit3A_676 : i32 to f32
    %pad3A_678 = vector.broadcast %convert_element_type3A_677 : f32 to vector<1x2048xf32>
    %pad3A_679 = tpu.concatenate %pad3A_678, %mul3A_668 in 1 : vector<1x2048xf32>, vector<1x512xf32> -> vector<1x2560xf32>
    %pad3A_680 = vector.broadcast %convert_element_type3A_677 : f32 to vector<1x2560xf32>
    %pad3A_681 = tpu.concatenate %pad3A_679, %pad3A_680 in 1 : vector<1x2560xf32>, vector<1x2560xf32> -> vector<1x5120xf32>
    %slice3A_682 = vector.extract_strided_slice %sub3A_49 {offsets = [0, 2560], sizes = [1, 2560], strides = [1, 1]} : vector<1x5120xf32> to vector<1x2560xf32>
    %slice3A_683 = vector.extract_strided_slice %sub3A_53 {offsets = [0, 2560], sizes = [1, 2560], strides = [1, 1]} : vector<1x5120xf32> to vector<1x2560xf32>
    %slice3A_684 = vector.extract_strided_slice %sub3A_60 {offsets = [0, 2560], sizes = [1, 2560], strides = [1, 1]} : vector<1x5120xf32> to vector<1x2560xf32>
    %slice3A_685 = vector.extract_strided_slice %sub3A_67 {offsets = [0, 2560], sizes = [1, 2560], strides = [1, 1]} : vector<1x5120xf32> to vector<1x2560xf32>
    %slice3A_686 = vector.extract_strided_slice %mul3A_76 {offsets = [0, 2560], sizes = [1, 2560], strides = [1, 1]} : vector<1x5120xf32> to vector<1x2560xf32>
    %max3A_687 = vector.broadcast %transpose3A_614 : vector<512x1xf32> to vector<512x2560xf32>
    %max3A_688 = vector.broadcast %slice3A_682 : vector<1x2560xf32> to vector<512x2560xf32>
    %max3A_689 = arith.maximumf %max3A_687, %max3A_688 : vector<512x2560xf32>
    %max3A_690 = vector.broadcast %transpose3A_615 : vector<512x1xf32> to vector<512x2560xf32>
    %max3A_691 = vector.broadcast %slice3A_683 : vector<1x2560xf32> to vector<512x2560xf32>
    %max3A_692 = arith.maximumf %max3A_690, %max3A_691 : vector<512x2560xf32>
    %min3A_693 = vector.broadcast %transpose3A_616 : vector<512x1xf32> to vector<512x2560xf32>
    %min3A_694 = vector.broadcast %slice3A_684 : vector<1x2560xf32> to vector<512x2560xf32>
    %min3A_695 = arith.minimumf %min3A_693, %min3A_694 : vector<512x2560xf32>
    %min3A_696 = vector.broadcast %transpose3A_617 : vector<512x1xf32> to vector<512x2560xf32>
    %min3A_697 = vector.broadcast %slice3A_685 : vector<1x2560xf32> to vector<512x2560xf32>
    %min3A_698 = arith.minimumf %min3A_696, %min3A_697 : vector<512x2560xf32>
    %sub3A_699 = arith.subf %min3A_695, %max3A_689 : vector<512x2560xf32>
    %add3A_700 = arith.constant 1.000000e+00 : f32
    %add3A_701 = vector.broadcast %add3A_700 : f32 to vector<512x2560xf32>
    %add3A_702 = arith.addf %sub3A_699, %add3A_701 : vector<512x2560xf32>
    %max3A_703 = arith.constant 0.000000e+00 : f32
    %max3A_704 = vector.broadcast %max3A_703 : f32 to vector<512x2560xf32>
    %max3A_705 = arith.maximumf %add3A_702, %max3A_704 : vector<512x2560xf32>
    %sub3A_706 = arith.subf %min3A_698, %max3A_692 : vector<512x2560xf32>
    %add3A_707 = arith.constant 1.000000e+00 : f32
    %add3A_708 = vector.broadcast %add3A_707 : f32 to vector<512x2560xf32>
    %add3A_709 = arith.addf %sub3A_706, %add3A_708 : vector<512x2560xf32>
    %max3A_710 = arith.constant 0.000000e+00 : f32
    %max3A_711 = vector.broadcast %max3A_710 : f32 to vector<512x2560xf32>
    %max3A_712 = arith.maximumf %add3A_709, %max3A_711 : vector<512x2560xf32>
    %mul3A_713 = arith.mulf %max3A_705, %max3A_712 : vector<512x2560xf32>
    %add3A_714 = vector.broadcast %transpose3A_618 : vector<512x1xf32> to vector<512x2560xf32>
    %add3A_715 = vector.broadcast %slice3A_686 : vector<1x2560xf32> to vector<512x2560xf32>
    %add3A_716 = arith.addf %add3A_714, %add3A_715 : vector<512x2560xf32>
    %sub3A_717 = arith.subf %add3A_716, %mul3A_713 : vector<512x2560xf32>
    %div3A_718 = arith.divf %mul3A_713, %sub3A_717 : vector<512x2560xf32>
    %transpose3A_719 = tpu.transpose %mul3A_668, [1, 0] : vector<1x512xf32> -> vector<512x1xf32>
    %gt3A_720 = arith.constant 0.699999988 : f32
    %gt3A_721 = vector.broadcast %gt3A_720 : f32 to vector<512x2560xf32>
    %gt3A_722 = arith.cmpf ogt, %div3A_718, %gt3A_721 : vector<512x2560xf32>
    %jit3A_723 = arith.constant 1.000000e+00 : f32
    %jit3A_724 = arith.constant 0.000000e+00 : f32
    %broadcast_in_dim3A_725 = vector.broadcast %jit3A_723 : f32 to vector<512x2560xf32>
    %broadcast_in_dim3A_726 = vector.broadcast %jit3A_724 : f32 to vector<512x2560xf32>
    %select_n3A_727 = arith.select %gt3A_722, %broadcast_in_dim3A_725, %broadcast_in_dim3A_726 : vector<512x2560xi1>, vector<512x2560xf32>
    %mul3A_728 = vector.broadcast %transpose3A_719 : vector<512x1xf32> to vector<512x2560xf32>
    %mul3A_729 = arith.mulf %select_n3A_727, %mul3A_728 : vector<512x2560xf32>
    %reduce_max3A_730 = arith.constant dense<0xFF800000> : vector<2560xf32>
    %reduce_max3A_731 = vector.multi_reduction <maximumf>, %mul3A_729, %reduce_max3A_730 [0] : vector<512x2560xf32> to vector<2560xf32>
    %broadcast_in_dim3A_732 = vector.shape_cast %reduce_max3A_731 : vector<2560xf32> to vector<1x2560xf32>
    %jit3A_733 = arith.constant 0 : i32
    %convert_element_type3A_734 = arith.sitofp %jit3A_733 : i32 to f32
    %pad3A_735 = vector.broadcast %convert_element_type3A_734 : f32 to vector<1x2560xf32>
    %pad3A_736 = tpu.concatenate %pad3A_735, %broadcast_in_dim3A_732 in 1 : vector<1x2560xf32>, vector<1x2560xf32> -> vector<1x5120xf32>
    %sub3A_737 = arith.constant 1.000000e+00 : f32
    %sub3A_738 = vector.broadcast %sub3A_737 : f32 to vector<1x5120xf32>
    %sub3A_739 = arith.subf %sub3A_738, %pad3A_736 : vector<1x5120xf32>
    %mul3A_740 = arith.mulf %select_n3A_608, %sub3A_739 : vector<1x5120xf32>
    %select_n3A_741 = arith.select %and3A_675, %pad3A_681, %mul3A_740 : vector<1x5120xi1>, vector<1x5120xf32>
    %slice3A_742 = vector.extract_strided_slice %sub3A_49 {offsets = [0, 2560], sizes = [1, 512], strides = [1, 1]} : vector<1x5120xf32> to vector<1x512xf32>
    %slice3A_743 = vector.extract_strided_slice %sub3A_53 {offsets = [0, 2560], sizes = [1, 512], strides = [1, 1]} : vector<1x5120xf32> to vector<1x512xf32>
    %slice3A_744 = vector.extract_strided_slice %sub3A_60 {offsets = [0, 2560], sizes = [1, 512], strides = [1, 1]} : vector<1x5120xf32> to vector<1x512xf32>
    %slice3A_745 = vector.extract_strided_slice %sub3A_67 {offsets = [0, 2560], sizes = [1, 512], strides = [1, 1]} : vector<1x5120xf32> to vector<1x512xf32>
    %slice3A_746 = vector.extract_strided_slice %mul3A_76 {offsets = [0, 2560], sizes = [1, 512], strides = [1, 1]} : vector<1x5120xf32> to vector<1x512xf32>
    %transpose3A_747 = tpu.transpose %slice3A_742, [1, 0] : vector<1x512xf32> -> vector<512x1xf32>
    %transpose3A_748 = tpu.transpose %slice3A_743, [1, 0] : vector<1x512xf32> -> vector<512x1xf32>
    %transpose3A_749 = tpu.transpose %slice3A_744, [1, 0] : vector<1x512xf32> -> vector<512x1xf32>
    %transpose3A_750 = tpu.transpose %slice3A_745, [1, 0] : vector<1x512xf32> -> vector<512x1xf32>
    %transpose3A_751 = tpu.transpose %slice3A_746, [1, 0] : vector<1x512xf32> -> vector<512x1xf32>
    %max3A_752 = vector.broadcast %transpose3A_747 : vector<512x1xf32> to vector<512x512xf32>
    %max3A_753 = vector.broadcast %slice3A_742 : vector<1x512xf32> to vector<512x512xf32>
    %max3A_754 = arith.maximumf %max3A_752, %max3A_753 : vector<512x512xf32>
    %max3A_755 = vector.broadcast %transpose3A_748 : vector<512x1xf32> to vector<512x512xf32>
    %max3A_756 = vector.broadcast %slice3A_743 : vector<1x512xf32> to vector<512x512xf32>
    %max3A_757 = arith.maximumf %max3A_755, %max3A_756 : vector<512x512xf32>
    %min3A_758 = vector.broadcast %transpose3A_749 : vector<512x1xf32> to vector<512x512xf32>
    %min3A_759 = vector.broadcast %slice3A_744 : vector<1x512xf32> to vector<512x512xf32>
    %min3A_760 = arith.minimumf %min3A_758, %min3A_759 : vector<512x512xf32>
    %min3A_761 = vector.broadcast %transpose3A_750 : vector<512x1xf32> to vector<512x512xf32>
    %min3A_762 = vector.broadcast %slice3A_745 : vector<1x512xf32> to vector<512x512xf32>
    %min3A_763 = arith.minimumf %min3A_761, %min3A_762 : vector<512x512xf32>
    %sub3A_764 = arith.subf %min3A_760, %max3A_754 : vector<512x512xf32>
    %add3A_765 = arith.constant 1.000000e+00 : f32
    %add3A_766 = vector.broadcast %add3A_765 : f32 to vector<512x512xf32>
    %add3A_767 = arith.addf %sub3A_764, %add3A_766 : vector<512x512xf32>
    %max3A_768 = arith.constant 0.000000e+00 : f32
    %max3A_769 = vector.broadcast %max3A_768 : f32 to vector<512x512xf32>
    %max3A_770 = arith.maximumf %add3A_767, %max3A_769 : vector<512x512xf32>
    %sub3A_771 = arith.subf %min3A_763, %max3A_757 : vector<512x512xf32>
    %add3A_772 = arith.constant 1.000000e+00 : f32
    %add3A_773 = vector.broadcast %add3A_772 : f32 to vector<512x512xf32>
    %add3A_774 = arith.addf %sub3A_771, %add3A_773 : vector<512x512xf32>
    %max3A_775 = arith.constant 0.000000e+00 : f32
    %max3A_776 = vector.broadcast %max3A_775 : f32 to vector<512x512xf32>
    %max3A_777 = arith.maximumf %add3A_774, %max3A_776 : vector<512x512xf32>
    %mul3A_778 = arith.mulf %max3A_770, %max3A_777 : vector<512x512xf32>
    %add3A_779 = vector.broadcast %transpose3A_751 : vector<512x1xf32> to vector<512x512xf32>
    %add3A_780 = vector.broadcast %slice3A_746 : vector<1x512xf32> to vector<512x512xf32>
    %add3A_781 = arith.addf %add3A_779, %add3A_780 : vector<512x512xf32>
    %sub3A_782 = arith.subf %add3A_781, %mul3A_778 : vector<512x512xf32>
    %div3A_783 = arith.divf %mul3A_778, %sub3A_782 : vector<512x512xf32>
    %gt3A_784 = arith.constant 0.699999988 : f32
    %gt3A_785 = vector.broadcast %gt3A_784 : f32 to vector<512x512xf32>
    %gt3A_786 = arith.cmpf ogt, %div3A_783, %gt3A_785 : vector<512x512xf32>
    %jit3A_787 = arith.constant 1.000000e+00 : f32
    %jit3A_788 = arith.constant 0.000000e+00 : f32
    %broadcast_in_dim3A_789 = vector.broadcast %jit3A_787 : f32 to vector<512x512xf32>
    %broadcast_in_dim3A_790 = vector.broadcast %jit3A_788 : f32 to vector<512x512xf32>
    %select_n3A_791 = arith.select %gt3A_786, %broadcast_in_dim3A_789, %broadcast_in_dim3A_790 : vector<512x512xi1>, vector<512x512xf32>
    %mul3A_792 = arith.mulf %select_n3A_791, %select_n3A_88 : vector<512x512xf32>
    %slice3A_793 = vector.extract_strided_slice %select_n3A_741 {offsets = [0, 2560], sizes = [1, 512], strides = [1, 1]} : vector<1x5120xf32> to vector<1x512xf32>
    %broadcast_in_dim3A_794 = arith.constant 0.000000e+00 : f32
    %broadcast_in_dim3A_795 = vector.broadcast %broadcast_in_dim3A_794 : f32 to vector<1x512xf32>
    %while3A_796 = arith.constant true
    %while3A_797:2 = scf.while (%while3A_1430 = %broadcast_in_dim3A_795, %while3A_1431 = %while3A_796) : (vector<1x512xf32>, i1) -> (vector<1x512xf32>, i1) {
      scf.condition(%while3A_1431) %while3A_1430, %while3A_1431 : vector<1x512xf32>, i1
    } do {
    ^bb0(%while3A_1430: vector<1x512xf32>, %while3A_1431: i1):
      %sub3A_1432 = arith.constant 1.000000e+00 : f32
      %sub3A_1433 = vector.broadcast %sub3A_1432 : f32 to vector<1x512xf32>
      %sub3A_1434 = arith.subf %sub3A_1433, %while3A_1430 : vector<1x512xf32>
      %mul3A_1435 = arith.mulf %slice3A_793, %sub3A_1434 : vector<1x512xf32>
      %transpose3A_1436 = tpu.transpose %mul3A_1435, [1, 0] : vector<1x512xf32> -> vector<512x1xf32>
      %mul3A_1437 = vector.broadcast %transpose3A_1436 : vector<512x1xf32> to vector<512x512xf32>
      %mul3A_1438 = arith.mulf %mul3A_792, %mul3A_1437 : vector<512x512xf32>
      %reduce_max3A_1439 = arith.constant dense<0xFF800000> : vector<512xf32>
      %reduce_max3A_1440 = vector.multi_reduction <maximumf>, %mul3A_1438, %reduce_max3A_1439 [0] : vector<512x512xf32> to vector<512xf32>
      %broadcast_in_dim3A_1441 = vector.shape_cast %reduce_max3A_1440 : vector<512xf32> to vector<1x512xf32>
      %ne3A = arith.cmpf one, %broadcast_in_dim3A_1441, %while3A_1430 : vector<1x512xf32>
      %reduce_or3A = arith.constant 1.000000e+00 : f32
      %reduce_or3A_1442 = arith.constant 0.000000e+00 : f32
      %reduce_or3A_1443 = vector.broadcast %reduce_or3A : f32 to vector<1x512xf32>
      %reduce_or3A_1444 = vector.broadcast %reduce_or3A_1442 : f32 to vector<1x512xf32>
      %reduce_or3A_1445 = arith.select %ne3A, %reduce_or3A_1443, %reduce_or3A_1444 : vector<1x512xi1>, vector<1x512xf32>
      %reduce_or3A_1446 = vector.shape_cast %reduce_or3A_1445 : vector<1x512xf32> to vector<1x1x512xf32>
      %reduce_or3A_1447 = arith.constant dense<0xFF800000> : vector<1xf32>
      %reduce_or3A_1448 = vector.multi_reduction <maximumf>, %reduce_or3A_1446, %reduce_or3A_1447 [1, 2] : vector<1x1x512xf32> to vector<1xf32>
      %reduce_or3A_1449 = vector.shape_cast %reduce_or3A_1448 : vector<1xf32> to vector<1x1x1xf32>
      %reduce_or3A_1450 = vector.extract %reduce_or3A_1449[0, 0, 0] : f32 from vector<1x1x1xf32>
      %reduce_or3A_1451 = arith.constant 0.000000e+00 : f32
      %reduce_or3A_1452 = arith.cmpf ogt, %reduce_or3A_1450, %reduce_or3A_1451 : f32
      scf.yield %broadcast_in_dim3A_1441, %reduce_or3A_1452 : vector<1x512xf32>, i1
    }
    %sub3A_798 = arith.constant 1.000000e+00 : f32
    %sub3A_799 = vector.broadcast %sub3A_798 : f32 to vector<1x512xf32>
    %sub3A_800 = arith.subf %sub3A_799, %while3A_797#0 : vector<1x512xf32>
    %mul3A_801 = arith.mulf %slice3A_793, %sub3A_800 : vector<1x512xf32>
    %ge3A_802 = arith.constant 2560 : i32
    %ge3A_803 = vector.broadcast %ge3A_802 : i32 to vector<1x5120xi32>
    %ge3A_804 = arith.cmpi sge, %iota3A, %ge3A_803 : vector<1x5120xi32>
    %lt3A_805 = arith.constant 3072 : i32
    %lt3A_806 = vector.broadcast %lt3A_805 : i32 to vector<1x5120xi32>
    %lt3A_807 = arith.cmpi slt, %iota3A, %lt3A_806 : vector<1x5120xi32>
    %and3A_808 = arith.andi %ge3A_804, %lt3A_807 : vector<1x5120xi1>
    %jit3A_809 = arith.constant 0 : i32
    %convert_element_type3A_810 = arith.sitofp %jit3A_809 : i32 to f32
    %pad3A_811 = vector.broadcast %convert_element_type3A_810 : f32 to vector<1x2560xf32>
    %pad3A_812 = tpu.concatenate %pad3A_811, %mul3A_801 in 1 : vector<1x2560xf32>, vector<1x512xf32> -> vector<1x3072xf32>
    %pad3A_813 = vector.broadcast %convert_element_type3A_810 : f32 to vector<1x2048xf32>
    %pad3A_814 = tpu.concatenate %pad3A_812, %pad3A_813 in 1 : vector<1x3072xf32>, vector<1x2048xf32> -> vector<1x5120xf32>
    %slice3A_815 = vector.extract_strided_slice %sub3A_49 {offsets = [0, 3072], sizes = [1, 2048], strides = [1, 1]} : vector<1x5120xf32> to vector<1x2048xf32>
    %slice3A_816 = vector.extract_strided_slice %sub3A_53 {offsets = [0, 3072], sizes = [1, 2048], strides = [1, 1]} : vector<1x5120xf32> to vector<1x2048xf32>
    %slice3A_817 = vector.extract_strided_slice %sub3A_60 {offsets = [0, 3072], sizes = [1, 2048], strides = [1, 1]} : vector<1x5120xf32> to vector<1x2048xf32>
    %slice3A_818 = vector.extract_strided_slice %sub3A_67 {offsets = [0, 3072], sizes = [1, 2048], strides = [1, 1]} : vector<1x5120xf32> to vector<1x2048xf32>
    %slice3A_819 = vector.extract_strided_slice %mul3A_76 {offsets = [0, 3072], sizes = [1, 2048], strides = [1, 1]} : vector<1x5120xf32> to vector<1x2048xf32>
    %max3A_820 = vector.broadcast %transpose3A_747 : vector<512x1xf32> to vector<512x2048xf32>
    %max3A_821 = vector.broadcast %slice3A_815 : vector<1x2048xf32> to vector<512x2048xf32>
    %max3A_822 = arith.maximumf %max3A_820, %max3A_821 : vector<512x2048xf32>
    %max3A_823 = vector.broadcast %transpose3A_748 : vector<512x1xf32> to vector<512x2048xf32>
    %max3A_824 = vector.broadcast %slice3A_816 : vector<1x2048xf32> to vector<512x2048xf32>
    %max3A_825 = arith.maximumf %max3A_823, %max3A_824 : vector<512x2048xf32>
    %min3A_826 = vector.broadcast %transpose3A_749 : vector<512x1xf32> to vector<512x2048xf32>
    %min3A_827 = vector.broadcast %slice3A_817 : vector<1x2048xf32> to vector<512x2048xf32>
    %min3A_828 = arith.minimumf %min3A_826, %min3A_827 : vector<512x2048xf32>
    %min3A_829 = vector.broadcast %transpose3A_750 : vector<512x1xf32> to vector<512x2048xf32>
    %min3A_830 = vector.broadcast %slice3A_818 : vector<1x2048xf32> to vector<512x2048xf32>
    %min3A_831 = arith.minimumf %min3A_829, %min3A_830 : vector<512x2048xf32>
    %sub3A_832 = arith.subf %min3A_828, %max3A_822 : vector<512x2048xf32>
    %add3A_833 = arith.constant 1.000000e+00 : f32
    %add3A_834 = vector.broadcast %add3A_833 : f32 to vector<512x2048xf32>
    %add3A_835 = arith.addf %sub3A_832, %add3A_834 : vector<512x2048xf32>
    %max3A_836 = arith.constant 0.000000e+00 : f32
    %max3A_837 = vector.broadcast %max3A_836 : f32 to vector<512x2048xf32>
    %max3A_838 = arith.maximumf %add3A_835, %max3A_837 : vector<512x2048xf32>
    %sub3A_839 = arith.subf %min3A_831, %max3A_825 : vector<512x2048xf32>
    %add3A_840 = arith.constant 1.000000e+00 : f32
    %add3A_841 = vector.broadcast %add3A_840 : f32 to vector<512x2048xf32>
    %add3A_842 = arith.addf %sub3A_839, %add3A_841 : vector<512x2048xf32>
    %max3A_843 = arith.constant 0.000000e+00 : f32
    %max3A_844 = vector.broadcast %max3A_843 : f32 to vector<512x2048xf32>
    %max3A_845 = arith.maximumf %add3A_842, %max3A_844 : vector<512x2048xf32>
    %mul3A_846 = arith.mulf %max3A_838, %max3A_845 : vector<512x2048xf32>
    %add3A_847 = vector.broadcast %transpose3A_751 : vector<512x1xf32> to vector<512x2048xf32>
    %add3A_848 = vector.broadcast %slice3A_819 : vector<1x2048xf32> to vector<512x2048xf32>
    %add3A_849 = arith.addf %add3A_847, %add3A_848 : vector<512x2048xf32>
    %sub3A_850 = arith.subf %add3A_849, %mul3A_846 : vector<512x2048xf32>
    %div3A_851 = arith.divf %mul3A_846, %sub3A_850 : vector<512x2048xf32>
    %transpose3A_852 = tpu.transpose %mul3A_801, [1, 0] : vector<1x512xf32> -> vector<512x1xf32>
    %gt3A_853 = arith.constant 0.699999988 : f32
    %gt3A_854 = vector.broadcast %gt3A_853 : f32 to vector<512x2048xf32>
    %gt3A_855 = arith.cmpf ogt, %div3A_851, %gt3A_854 : vector<512x2048xf32>
    %jit3A_856 = arith.constant 1.000000e+00 : f32
    %jit3A_857 = arith.constant 0.000000e+00 : f32
    %broadcast_in_dim3A_858 = vector.broadcast %jit3A_856 : f32 to vector<512x2048xf32>
    %broadcast_in_dim3A_859 = vector.broadcast %jit3A_857 : f32 to vector<512x2048xf32>
    %select_n3A_860 = arith.select %gt3A_855, %broadcast_in_dim3A_858, %broadcast_in_dim3A_859 : vector<512x2048xi1>, vector<512x2048xf32>
    %mul3A_861 = vector.broadcast %transpose3A_852 : vector<512x1xf32> to vector<512x2048xf32>
    %mul3A_862 = arith.mulf %select_n3A_860, %mul3A_861 : vector<512x2048xf32>
    %reduce_max3A_863 = arith.constant dense<0xFF800000> : vector<2048xf32>
    %reduce_max3A_864 = vector.multi_reduction <maximumf>, %mul3A_862, %reduce_max3A_863 [0] : vector<512x2048xf32> to vector<2048xf32>
    %broadcast_in_dim3A_865 = vector.shape_cast %reduce_max3A_864 : vector<2048xf32> to vector<1x2048xf32>
    %jit3A_866 = arith.constant 0 : i32
    %convert_element_type3A_867 = arith.sitofp %jit3A_866 : i32 to f32
    %pad3A_868 = vector.broadcast %convert_element_type3A_867 : f32 to vector<1x3072xf32>
    %pad3A_869 = tpu.concatenate %pad3A_868, %broadcast_in_dim3A_865 in 1 : vector<1x3072xf32>, vector<1x2048xf32> -> vector<1x5120xf32>
    %sub3A_870 = arith.constant 1.000000e+00 : f32
    %sub3A_871 = vector.broadcast %sub3A_870 : f32 to vector<1x5120xf32>
    %sub3A_872 = arith.subf %sub3A_871, %pad3A_869 : vector<1x5120xf32>
    %mul3A_873 = arith.mulf %select_n3A_741, %sub3A_872 : vector<1x5120xf32>
    %select_n3A_874 = arith.select %and3A_808, %pad3A_814, %mul3A_873 : vector<1x5120xi1>, vector<1x5120xf32>
    %slice3A_875 = vector.extract_strided_slice %sub3A_49 {offsets = [0, 3072], sizes = [1, 512], strides = [1, 1]} : vector<1x5120xf32> to vector<1x512xf32>
    %slice3A_876 = vector.extract_strided_slice %sub3A_53 {offsets = [0, 3072], sizes = [1, 512], strides = [1, 1]} : vector<1x5120xf32> to vector<1x512xf32>
    %slice3A_877 = vector.extract_strided_slice %sub3A_60 {offsets = [0, 3072], sizes = [1, 512], strides = [1, 1]} : vector<1x5120xf32> to vector<1x512xf32>
    %slice3A_878 = vector.extract_strided_slice %sub3A_67 {offsets = [0, 3072], sizes = [1, 512], strides = [1, 1]} : vector<1x5120xf32> to vector<1x512xf32>
    %slice3A_879 = vector.extract_strided_slice %mul3A_76 {offsets = [0, 3072], sizes = [1, 512], strides = [1, 1]} : vector<1x5120xf32> to vector<1x512xf32>
    %transpose3A_880 = tpu.transpose %slice3A_875, [1, 0] : vector<1x512xf32> -> vector<512x1xf32>
    %transpose3A_881 = tpu.transpose %slice3A_876, [1, 0] : vector<1x512xf32> -> vector<512x1xf32>
    %transpose3A_882 = tpu.transpose %slice3A_877, [1, 0] : vector<1x512xf32> -> vector<512x1xf32>
    %transpose3A_883 = tpu.transpose %slice3A_878, [1, 0] : vector<1x512xf32> -> vector<512x1xf32>
    %transpose3A_884 = tpu.transpose %slice3A_879, [1, 0] : vector<1x512xf32> -> vector<512x1xf32>
    %max3A_885 = vector.broadcast %transpose3A_880 : vector<512x1xf32> to vector<512x512xf32>
    %max3A_886 = vector.broadcast %slice3A_875 : vector<1x512xf32> to vector<512x512xf32>
    %max3A_887 = arith.maximumf %max3A_885, %max3A_886 : vector<512x512xf32>
    %max3A_888 = vector.broadcast %transpose3A_881 : vector<512x1xf32> to vector<512x512xf32>
    %max3A_889 = vector.broadcast %slice3A_876 : vector<1x512xf32> to vector<512x512xf32>
    %max3A_890 = arith.maximumf %max3A_888, %max3A_889 : vector<512x512xf32>
    %min3A_891 = vector.broadcast %transpose3A_882 : vector<512x1xf32> to vector<512x512xf32>
    %min3A_892 = vector.broadcast %slice3A_877 : vector<1x512xf32> to vector<512x512xf32>
    %min3A_893 = arith.minimumf %min3A_891, %min3A_892 : vector<512x512xf32>
    %min3A_894 = vector.broadcast %transpose3A_883 : vector<512x1xf32> to vector<512x512xf32>
    %min3A_895 = vector.broadcast %slice3A_878 : vector<1x512xf32> to vector<512x512xf32>
    %min3A_896 = arith.minimumf %min3A_894, %min3A_895 : vector<512x512xf32>
    %sub3A_897 = arith.subf %min3A_893, %max3A_887 : vector<512x512xf32>
    %add3A_898 = arith.constant 1.000000e+00 : f32
    %add3A_899 = vector.broadcast %add3A_898 : f32 to vector<512x512xf32>
    %add3A_900 = arith.addf %sub3A_897, %add3A_899 : vector<512x512xf32>
    %max3A_901 = arith.constant 0.000000e+00 : f32
    %max3A_902 = vector.broadcast %max3A_901 : f32 to vector<512x512xf32>
    %max3A_903 = arith.maximumf %add3A_900, %max3A_902 : vector<512x512xf32>
    %sub3A_904 = arith.subf %min3A_896, %max3A_890 : vector<512x512xf32>
    %add3A_905 = arith.constant 1.000000e+00 : f32
    %add3A_906 = vector.broadcast %add3A_905 : f32 to vector<512x512xf32>
    %add3A_907 = arith.addf %sub3A_904, %add3A_906 : vector<512x512xf32>
    %max3A_908 = arith.constant 0.000000e+00 : f32
    %max3A_909 = vector.broadcast %max3A_908 : f32 to vector<512x512xf32>
    %max3A_910 = arith.maximumf %add3A_907, %max3A_909 : vector<512x512xf32>
    %mul3A_911 = arith.mulf %max3A_903, %max3A_910 : vector<512x512xf32>
    %add3A_912 = vector.broadcast %transpose3A_884 : vector<512x1xf32> to vector<512x512xf32>
    %add3A_913 = vector.broadcast %slice3A_879 : vector<1x512xf32> to vector<512x512xf32>
    %add3A_914 = arith.addf %add3A_912, %add3A_913 : vector<512x512xf32>
    %sub3A_915 = arith.subf %add3A_914, %mul3A_911 : vector<512x512xf32>
    %div3A_916 = arith.divf %mul3A_911, %sub3A_915 : vector<512x512xf32>
    %gt3A_917 = arith.constant 0.699999988 : f32
    %gt3A_918 = vector.broadcast %gt3A_917 : f32 to vector<512x512xf32>
    %gt3A_919 = arith.cmpf ogt, %div3A_916, %gt3A_918 : vector<512x512xf32>
    %jit3A_920 = arith.constant 1.000000e+00 : f32
    %jit3A_921 = arith.constant 0.000000e+00 : f32
    %broadcast_in_dim3A_922 = vector.broadcast %jit3A_920 : f32 to vector<512x512xf32>
    %broadcast_in_dim3A_923 = vector.broadcast %jit3A_921 : f32 to vector<512x512xf32>
    %select_n3A_924 = arith.select %gt3A_919, %broadcast_in_dim3A_922, %broadcast_in_dim3A_923 : vector<512x512xi1>, vector<512x512xf32>
    %mul3A_925 = arith.mulf %select_n3A_924, %select_n3A_88 : vector<512x512xf32>
    %slice3A_926 = vector.extract_strided_slice %select_n3A_874 {offsets = [0, 3072], sizes = [1, 512], strides = [1, 1]} : vector<1x5120xf32> to vector<1x512xf32>
    %broadcast_in_dim3A_927 = arith.constant 0.000000e+00 : f32
    %broadcast_in_dim3A_928 = vector.broadcast %broadcast_in_dim3A_927 : f32 to vector<1x512xf32>
    %while3A_929 = arith.constant true
    %while3A_930:2 = scf.while (%while3A_1430 = %broadcast_in_dim3A_928, %while3A_1431 = %while3A_929) : (vector<1x512xf32>, i1) -> (vector<1x512xf32>, i1) {
      scf.condition(%while3A_1431) %while3A_1430, %while3A_1431 : vector<1x512xf32>, i1
    } do {
    ^bb0(%while3A_1430: vector<1x512xf32>, %while3A_1431: i1):
      %sub3A_1432 = arith.constant 1.000000e+00 : f32
      %sub3A_1433 = vector.broadcast %sub3A_1432 : f32 to vector<1x512xf32>
      %sub3A_1434 = arith.subf %sub3A_1433, %while3A_1430 : vector<1x512xf32>
      %mul3A_1435 = arith.mulf %slice3A_926, %sub3A_1434 : vector<1x512xf32>
      %transpose3A_1436 = tpu.transpose %mul3A_1435, [1, 0] : vector<1x512xf32> -> vector<512x1xf32>
      %mul3A_1437 = vector.broadcast %transpose3A_1436 : vector<512x1xf32> to vector<512x512xf32>
      %mul3A_1438 = arith.mulf %mul3A_925, %mul3A_1437 : vector<512x512xf32>
      %reduce_max3A_1439 = arith.constant dense<0xFF800000> : vector<512xf32>
      %reduce_max3A_1440 = vector.multi_reduction <maximumf>, %mul3A_1438, %reduce_max3A_1439 [0] : vector<512x512xf32> to vector<512xf32>
      %broadcast_in_dim3A_1441 = vector.shape_cast %reduce_max3A_1440 : vector<512xf32> to vector<1x512xf32>
      %ne3A = arith.cmpf one, %broadcast_in_dim3A_1441, %while3A_1430 : vector<1x512xf32>
      %reduce_or3A = arith.constant 1.000000e+00 : f32
      %reduce_or3A_1442 = arith.constant 0.000000e+00 : f32
      %reduce_or3A_1443 = vector.broadcast %reduce_or3A : f32 to vector<1x512xf32>
      %reduce_or3A_1444 = vector.broadcast %reduce_or3A_1442 : f32 to vector<1x512xf32>
      %reduce_or3A_1445 = arith.select %ne3A, %reduce_or3A_1443, %reduce_or3A_1444 : vector<1x512xi1>, vector<1x512xf32>
      %reduce_or3A_1446 = vector.shape_cast %reduce_or3A_1445 : vector<1x512xf32> to vector<1x1x512xf32>
      %reduce_or3A_1447 = arith.constant dense<0xFF800000> : vector<1xf32>
      %reduce_or3A_1448 = vector.multi_reduction <maximumf>, %reduce_or3A_1446, %reduce_or3A_1447 [1, 2] : vector<1x1x512xf32> to vector<1xf32>
      %reduce_or3A_1449 = vector.shape_cast %reduce_or3A_1448 : vector<1xf32> to vector<1x1x1xf32>
      %reduce_or3A_1450 = vector.extract %reduce_or3A_1449[0, 0, 0] : f32 from vector<1x1x1xf32>
      %reduce_or3A_1451 = arith.constant 0.000000e+00 : f32
      %reduce_or3A_1452 = arith.cmpf ogt, %reduce_or3A_1450, %reduce_or3A_1451 : f32
      scf.yield %broadcast_in_dim3A_1441, %reduce_or3A_1452 : vector<1x512xf32>, i1
    }
    %sub3A_931 = arith.constant 1.000000e+00 : f32
    %sub3A_932 = vector.broadcast %sub3A_931 : f32 to vector<1x512xf32>
    %sub3A_933 = arith.subf %sub3A_932, %while3A_930#0 : vector<1x512xf32>
    %mul3A_934 = arith.mulf %slice3A_926, %sub3A_933 : vector<1x512xf32>
    %ge3A_935 = arith.constant 3072 : i32
    %ge3A_936 = vector.broadcast %ge3A_935 : i32 to vector<1x5120xi32>
    %ge3A_937 = arith.cmpi sge, %iota3A, %ge3A_936 : vector<1x5120xi32>
    %lt3A_938 = arith.constant 3584 : i32
    %lt3A_939 = vector.broadcast %lt3A_938 : i32 to vector<1x5120xi32>
    %lt3A_940 = arith.cmpi slt, %iota3A, %lt3A_939 : vector<1x5120xi32>
    %and3A_941 = arith.andi %ge3A_937, %lt3A_940 : vector<1x5120xi1>
    %jit3A_942 = arith.constant 0 : i32
    %convert_element_type3A_943 = arith.sitofp %jit3A_942 : i32 to f32
    %pad3A_944 = vector.broadcast %convert_element_type3A_943 : f32 to vector<1x3072xf32>
    %pad3A_945 = tpu.concatenate %pad3A_944, %mul3A_934 in 1 : vector<1x3072xf32>, vector<1x512xf32> -> vector<1x3584xf32>
    %pad3A_946 = vector.broadcast %convert_element_type3A_943 : f32 to vector<1x1536xf32>
    %pad3A_947 = tpu.concatenate %pad3A_945, %pad3A_946 in 1 : vector<1x3584xf32>, vector<1x1536xf32> -> vector<1x5120xf32>
    %slice3A_948 = vector.extract_strided_slice %sub3A_49 {offsets = [0, 3584], sizes = [1, 1536], strides = [1, 1]} : vector<1x5120xf32> to vector<1x1536xf32>
    %slice3A_949 = vector.extract_strided_slice %sub3A_53 {offsets = [0, 3584], sizes = [1, 1536], strides = [1, 1]} : vector<1x5120xf32> to vector<1x1536xf32>
    %slice3A_950 = vector.extract_strided_slice %sub3A_60 {offsets = [0, 3584], sizes = [1, 1536], strides = [1, 1]} : vector<1x5120xf32> to vector<1x1536xf32>
    %slice3A_951 = vector.extract_strided_slice %sub3A_67 {offsets = [0, 3584], sizes = [1, 1536], strides = [1, 1]} : vector<1x5120xf32> to vector<1x1536xf32>
    %slice3A_952 = vector.extract_strided_slice %mul3A_76 {offsets = [0, 3584], sizes = [1, 1536], strides = [1, 1]} : vector<1x5120xf32> to vector<1x1536xf32>
    %max3A_953 = vector.broadcast %transpose3A_880 : vector<512x1xf32> to vector<512x1536xf32>
    %max3A_954 = vector.broadcast %slice3A_948 : vector<1x1536xf32> to vector<512x1536xf32>
    %max3A_955 = arith.maximumf %max3A_953, %max3A_954 : vector<512x1536xf32>
    %max3A_956 = vector.broadcast %transpose3A_881 : vector<512x1xf32> to vector<512x1536xf32>
    %max3A_957 = vector.broadcast %slice3A_949 : vector<1x1536xf32> to vector<512x1536xf32>
    %max3A_958 = arith.maximumf %max3A_956, %max3A_957 : vector<512x1536xf32>
    %min3A_959 = vector.broadcast %transpose3A_882 : vector<512x1xf32> to vector<512x1536xf32>
    %min3A_960 = vector.broadcast %slice3A_950 : vector<1x1536xf32> to vector<512x1536xf32>
    %min3A_961 = arith.minimumf %min3A_959, %min3A_960 : vector<512x1536xf32>
    %min3A_962 = vector.broadcast %transpose3A_883 : vector<512x1xf32> to vector<512x1536xf32>
    %min3A_963 = vector.broadcast %slice3A_951 : vector<1x1536xf32> to vector<512x1536xf32>
    %min3A_964 = arith.minimumf %min3A_962, %min3A_963 : vector<512x1536xf32>
    %sub3A_965 = arith.subf %min3A_961, %max3A_955 : vector<512x1536xf32>
    %add3A_966 = arith.constant 1.000000e+00 : f32
    %add3A_967 = vector.broadcast %add3A_966 : f32 to vector<512x1536xf32>
    %add3A_968 = arith.addf %sub3A_965, %add3A_967 : vector<512x1536xf32>
    %max3A_969 = arith.constant 0.000000e+00 : f32
    %max3A_970 = vector.broadcast %max3A_969 : f32 to vector<512x1536xf32>
    %max3A_971 = arith.maximumf %add3A_968, %max3A_970 : vector<512x1536xf32>
    %sub3A_972 = arith.subf %min3A_964, %max3A_958 : vector<512x1536xf32>
    %add3A_973 = arith.constant 1.000000e+00 : f32
    %add3A_974 = vector.broadcast %add3A_973 : f32 to vector<512x1536xf32>
    %add3A_975 = arith.addf %sub3A_972, %add3A_974 : vector<512x1536xf32>
    %max3A_976 = arith.constant 0.000000e+00 : f32
    %max3A_977 = vector.broadcast %max3A_976 : f32 to vector<512x1536xf32>
    %max3A_978 = arith.maximumf %add3A_975, %max3A_977 : vector<512x1536xf32>
    %mul3A_979 = arith.mulf %max3A_971, %max3A_978 : vector<512x1536xf32>
    %add3A_980 = vector.broadcast %transpose3A_884 : vector<512x1xf32> to vector<512x1536xf32>
    %add3A_981 = vector.broadcast %slice3A_952 : vector<1x1536xf32> to vector<512x1536xf32>
    %add3A_982 = arith.addf %add3A_980, %add3A_981 : vector<512x1536xf32>
    %sub3A_983 = arith.subf %add3A_982, %mul3A_979 : vector<512x1536xf32>
    %div3A_984 = arith.divf %mul3A_979, %sub3A_983 : vector<512x1536xf32>
    %transpose3A_985 = tpu.transpose %mul3A_934, [1, 0] : vector<1x512xf32> -> vector<512x1xf32>
    %gt3A_986 = arith.constant 0.699999988 : f32
    %gt3A_987 = vector.broadcast %gt3A_986 : f32 to vector<512x1536xf32>
    %gt3A_988 = arith.cmpf ogt, %div3A_984, %gt3A_987 : vector<512x1536xf32>
    %jit3A_989 = arith.constant 1.000000e+00 : f32
    %jit3A_990 = arith.constant 0.000000e+00 : f32
    %broadcast_in_dim3A_991 = vector.broadcast %jit3A_989 : f32 to vector<512x1536xf32>
    %broadcast_in_dim3A_992 = vector.broadcast %jit3A_990 : f32 to vector<512x1536xf32>
    %select_n3A_993 = arith.select %gt3A_988, %broadcast_in_dim3A_991, %broadcast_in_dim3A_992 : vector<512x1536xi1>, vector<512x1536xf32>
    %mul3A_994 = vector.broadcast %transpose3A_985 : vector<512x1xf32> to vector<512x1536xf32>
    %mul3A_995 = arith.mulf %select_n3A_993, %mul3A_994 : vector<512x1536xf32>
    %reduce_max3A_996 = arith.constant dense<0xFF800000> : vector<1536xf32>
    %reduce_max3A_997 = vector.multi_reduction <maximumf>, %mul3A_995, %reduce_max3A_996 [0] : vector<512x1536xf32> to vector<1536xf32>
    %broadcast_in_dim3A_998 = vector.shape_cast %reduce_max3A_997 : vector<1536xf32> to vector<1x1536xf32>
    %jit3A_999 = arith.constant 0 : i32
    %convert_element_type3A_1000 = arith.sitofp %jit3A_999 : i32 to f32
    %pad3A_1001 = vector.broadcast %convert_element_type3A_1000 : f32 to vector<1x3584xf32>
    %pad3A_1002 = tpu.concatenate %pad3A_1001, %broadcast_in_dim3A_998 in 1 : vector<1x3584xf32>, vector<1x1536xf32> -> vector<1x5120xf32>
    %sub3A_1003 = arith.constant 1.000000e+00 : f32
    %sub3A_1004 = vector.broadcast %sub3A_1003 : f32 to vector<1x5120xf32>
    %sub3A_1005 = arith.subf %sub3A_1004, %pad3A_1002 : vector<1x5120xf32>
    %mul3A_1006 = arith.mulf %select_n3A_874, %sub3A_1005 : vector<1x5120xf32>
    %select_n3A_1007 = arith.select %and3A_941, %pad3A_947, %mul3A_1006 : vector<1x5120xi1>, vector<1x5120xf32>
    %slice3A_1008 = vector.extract_strided_slice %sub3A_49 {offsets = [0, 3584], sizes = [1, 512], strides = [1, 1]} : vector<1x5120xf32> to vector<1x512xf32>
    %slice3A_1009 = vector.extract_strided_slice %sub3A_53 {offsets = [0, 3584], sizes = [1, 512], strides = [1, 1]} : vector<1x5120xf32> to vector<1x512xf32>
    %slice3A_1010 = vector.extract_strided_slice %sub3A_60 {offsets = [0, 3584], sizes = [1, 512], strides = [1, 1]} : vector<1x5120xf32> to vector<1x512xf32>
    %slice3A_1011 = vector.extract_strided_slice %sub3A_67 {offsets = [0, 3584], sizes = [1, 512], strides = [1, 1]} : vector<1x5120xf32> to vector<1x512xf32>
    %slice3A_1012 = vector.extract_strided_slice %mul3A_76 {offsets = [0, 3584], sizes = [1, 512], strides = [1, 1]} : vector<1x5120xf32> to vector<1x512xf32>
    %transpose3A_1013 = tpu.transpose %slice3A_1008, [1, 0] : vector<1x512xf32> -> vector<512x1xf32>
    %transpose3A_1014 = tpu.transpose %slice3A_1009, [1, 0] : vector<1x512xf32> -> vector<512x1xf32>
    %transpose3A_1015 = tpu.transpose %slice3A_1010, [1, 0] : vector<1x512xf32> -> vector<512x1xf32>
    %transpose3A_1016 = tpu.transpose %slice3A_1011, [1, 0] : vector<1x512xf32> -> vector<512x1xf32>
    %transpose3A_1017 = tpu.transpose %slice3A_1012, [1, 0] : vector<1x512xf32> -> vector<512x1xf32>
    %max3A_1018 = vector.broadcast %transpose3A_1013 : vector<512x1xf32> to vector<512x512xf32>
    %max3A_1019 = vector.broadcast %slice3A_1008 : vector<1x512xf32> to vector<512x512xf32>
    %max3A_1020 = arith.maximumf %max3A_1018, %max3A_1019 : vector<512x512xf32>
    %max3A_1021 = vector.broadcast %transpose3A_1014 : vector<512x1xf32> to vector<512x512xf32>
    %max3A_1022 = vector.broadcast %slice3A_1009 : vector<1x512xf32> to vector<512x512xf32>
    %max3A_1023 = arith.maximumf %max3A_1021, %max3A_1022 : vector<512x512xf32>
    %min3A_1024 = vector.broadcast %transpose3A_1015 : vector<512x1xf32> to vector<512x512xf32>
    %min3A_1025 = vector.broadcast %slice3A_1010 : vector<1x512xf32> to vector<512x512xf32>
    %min3A_1026 = arith.minimumf %min3A_1024, %min3A_1025 : vector<512x512xf32>
    %min3A_1027 = vector.broadcast %transpose3A_1016 : vector<512x1xf32> to vector<512x512xf32>
    %min3A_1028 = vector.broadcast %slice3A_1011 : vector<1x512xf32> to vector<512x512xf32>
    %min3A_1029 = arith.minimumf %min3A_1027, %min3A_1028 : vector<512x512xf32>
    %sub3A_1030 = arith.subf %min3A_1026, %max3A_1020 : vector<512x512xf32>
    %add3A_1031 = arith.constant 1.000000e+00 : f32
    %add3A_1032 = vector.broadcast %add3A_1031 : f32 to vector<512x512xf32>
    %add3A_1033 = arith.addf %sub3A_1030, %add3A_1032 : vector<512x512xf32>
    %max3A_1034 = arith.constant 0.000000e+00 : f32
    %max3A_1035 = vector.broadcast %max3A_1034 : f32 to vector<512x512xf32>
    %max3A_1036 = arith.maximumf %add3A_1033, %max3A_1035 : vector<512x512xf32>
    %sub3A_1037 = arith.subf %min3A_1029, %max3A_1023 : vector<512x512xf32>
    %add3A_1038 = arith.constant 1.000000e+00 : f32
    %add3A_1039 = vector.broadcast %add3A_1038 : f32 to vector<512x512xf32>
    %add3A_1040 = arith.addf %sub3A_1037, %add3A_1039 : vector<512x512xf32>
    %max3A_1041 = arith.constant 0.000000e+00 : f32
    %max3A_1042 = vector.broadcast %max3A_1041 : f32 to vector<512x512xf32>
    %max3A_1043 = arith.maximumf %add3A_1040, %max3A_1042 : vector<512x512xf32>
    %mul3A_1044 = arith.mulf %max3A_1036, %max3A_1043 : vector<512x512xf32>
    %add3A_1045 = vector.broadcast %transpose3A_1017 : vector<512x1xf32> to vector<512x512xf32>
    %add3A_1046 = vector.broadcast %slice3A_1012 : vector<1x512xf32> to vector<512x512xf32>
    %add3A_1047 = arith.addf %add3A_1045, %add3A_1046 : vector<512x512xf32>
    %sub3A_1048 = arith.subf %add3A_1047, %mul3A_1044 : vector<512x512xf32>
    %div3A_1049 = arith.divf %mul3A_1044, %sub3A_1048 : vector<512x512xf32>
    %gt3A_1050 = arith.constant 0.699999988 : f32
    %gt3A_1051 = vector.broadcast %gt3A_1050 : f32 to vector<512x512xf32>
    %gt3A_1052 = arith.cmpf ogt, %div3A_1049, %gt3A_1051 : vector<512x512xf32>
    %jit3A_1053 = arith.constant 1.000000e+00 : f32
    %jit3A_1054 = arith.constant 0.000000e+00 : f32
    %broadcast_in_dim3A_1055 = vector.broadcast %jit3A_1053 : f32 to vector<512x512xf32>
    %broadcast_in_dim3A_1056 = vector.broadcast %jit3A_1054 : f32 to vector<512x512xf32>
    %select_n3A_1057 = arith.select %gt3A_1052, %broadcast_in_dim3A_1055, %broadcast_in_dim3A_1056 : vector<512x512xi1>, vector<512x512xf32>
    %mul3A_1058 = arith.mulf %select_n3A_1057, %select_n3A_88 : vector<512x512xf32>
    %slice3A_1059 = vector.extract_strided_slice %select_n3A_1007 {offsets = [0, 3584], sizes = [1, 512], strides = [1, 1]} : vector<1x5120xf32> to vector<1x512xf32>
    %broadcast_in_dim3A_1060 = arith.constant 0.000000e+00 : f32
    %broadcast_in_dim3A_1061 = vector.broadcast %broadcast_in_dim3A_1060 : f32 to vector<1x512xf32>
    %while3A_1062 = arith.constant true
    %while3A_1063:2 = scf.while (%while3A_1430 = %broadcast_in_dim3A_1061, %while3A_1431 = %while3A_1062) : (vector<1x512xf32>, i1) -> (vector<1x512xf32>, i1) {
      scf.condition(%while3A_1431) %while3A_1430, %while3A_1431 : vector<1x512xf32>, i1
    } do {
    ^bb0(%while3A_1430: vector<1x512xf32>, %while3A_1431: i1):
      %sub3A_1432 = arith.constant 1.000000e+00 : f32
      %sub3A_1433 = vector.broadcast %sub3A_1432 : f32 to vector<1x512xf32>
      %sub3A_1434 = arith.subf %sub3A_1433, %while3A_1430 : vector<1x512xf32>
      %mul3A_1435 = arith.mulf %slice3A_1059, %sub3A_1434 : vector<1x512xf32>
      %transpose3A_1436 = tpu.transpose %mul3A_1435, [1, 0] : vector<1x512xf32> -> vector<512x1xf32>
      %mul3A_1437 = vector.broadcast %transpose3A_1436 : vector<512x1xf32> to vector<512x512xf32>
      %mul3A_1438 = arith.mulf %mul3A_1058, %mul3A_1437 : vector<512x512xf32>
      %reduce_max3A_1439 = arith.constant dense<0xFF800000> : vector<512xf32>
      %reduce_max3A_1440 = vector.multi_reduction <maximumf>, %mul3A_1438, %reduce_max3A_1439 [0] : vector<512x512xf32> to vector<512xf32>
      %broadcast_in_dim3A_1441 = vector.shape_cast %reduce_max3A_1440 : vector<512xf32> to vector<1x512xf32>
      %ne3A = arith.cmpf one, %broadcast_in_dim3A_1441, %while3A_1430 : vector<1x512xf32>
      %reduce_or3A = arith.constant 1.000000e+00 : f32
      %reduce_or3A_1442 = arith.constant 0.000000e+00 : f32
      %reduce_or3A_1443 = vector.broadcast %reduce_or3A : f32 to vector<1x512xf32>
      %reduce_or3A_1444 = vector.broadcast %reduce_or3A_1442 : f32 to vector<1x512xf32>
      %reduce_or3A_1445 = arith.select %ne3A, %reduce_or3A_1443, %reduce_or3A_1444 : vector<1x512xi1>, vector<1x512xf32>
      %reduce_or3A_1446 = vector.shape_cast %reduce_or3A_1445 : vector<1x512xf32> to vector<1x1x512xf32>
      %reduce_or3A_1447 = arith.constant dense<0xFF800000> : vector<1xf32>
      %reduce_or3A_1448 = vector.multi_reduction <maximumf>, %reduce_or3A_1446, %reduce_or3A_1447 [1, 2] : vector<1x1x512xf32> to vector<1xf32>
      %reduce_or3A_1449 = vector.shape_cast %reduce_or3A_1448 : vector<1xf32> to vector<1x1x1xf32>
      %reduce_or3A_1450 = vector.extract %reduce_or3A_1449[0, 0, 0] : f32 from vector<1x1x1xf32>
      %reduce_or3A_1451 = arith.constant 0.000000e+00 : f32
      %reduce_or3A_1452 = arith.cmpf ogt, %reduce_or3A_1450, %reduce_or3A_1451 : f32
      scf.yield %broadcast_in_dim3A_1441, %reduce_or3A_1452 : vector<1x512xf32>, i1
    }
    %sub3A_1064 = arith.constant 1.000000e+00 : f32
    %sub3A_1065 = vector.broadcast %sub3A_1064 : f32 to vector<1x512xf32>
    %sub3A_1066 = arith.subf %sub3A_1065, %while3A_1063#0 : vector<1x512xf32>
    %mul3A_1067 = arith.mulf %slice3A_1059, %sub3A_1066 : vector<1x512xf32>
    %ge3A_1068 = arith.constant 3584 : i32
    %ge3A_1069 = vector.broadcast %ge3A_1068 : i32 to vector<1x5120xi32>
    %ge3A_1070 = arith.cmpi sge, %iota3A, %ge3A_1069 : vector<1x5120xi32>
    %lt3A_1071 = arith.constant 4096 : i32
    %lt3A_1072 = vector.broadcast %lt3A_1071 : i32 to vector<1x5120xi32>
    %lt3A_1073 = arith.cmpi slt, %iota3A, %lt3A_1072 : vector<1x5120xi32>
    %and3A_1074 = arith.andi %ge3A_1070, %lt3A_1073 : vector<1x5120xi1>
    %jit3A_1075 = arith.constant 0 : i32
    %convert_element_type3A_1076 = arith.sitofp %jit3A_1075 : i32 to f32
    %pad3A_1077 = vector.broadcast %convert_element_type3A_1076 : f32 to vector<1x3584xf32>
    %pad3A_1078 = tpu.concatenate %pad3A_1077, %mul3A_1067 in 1 : vector<1x3584xf32>, vector<1x512xf32> -> vector<1x4096xf32>
    %pad3A_1079 = vector.broadcast %convert_element_type3A_1076 : f32 to vector<1x1024xf32>
    %pad3A_1080 = tpu.concatenate %pad3A_1078, %pad3A_1079 in 1 : vector<1x4096xf32>, vector<1x1024xf32> -> vector<1x5120xf32>
    %slice3A_1081 = vector.extract_strided_slice %sub3A_49 {offsets = [0, 4096], sizes = [1, 1024], strides = [1, 1]} : vector<1x5120xf32> to vector<1x1024xf32>
    %slice3A_1082 = vector.extract_strided_slice %sub3A_53 {offsets = [0, 4096], sizes = [1, 1024], strides = [1, 1]} : vector<1x5120xf32> to vector<1x1024xf32>
    %slice3A_1083 = vector.extract_strided_slice %sub3A_60 {offsets = [0, 4096], sizes = [1, 1024], strides = [1, 1]} : vector<1x5120xf32> to vector<1x1024xf32>
    %slice3A_1084 = vector.extract_strided_slice %sub3A_67 {offsets = [0, 4096], sizes = [1, 1024], strides = [1, 1]} : vector<1x5120xf32> to vector<1x1024xf32>
    %slice3A_1085 = vector.extract_strided_slice %mul3A_76 {offsets = [0, 4096], sizes = [1, 1024], strides = [1, 1]} : vector<1x5120xf32> to vector<1x1024xf32>
    %max3A_1086 = vector.broadcast %transpose3A_1013 : vector<512x1xf32> to vector<512x1024xf32>
    %max3A_1087 = vector.broadcast %slice3A_1081 : vector<1x1024xf32> to vector<512x1024xf32>
    %max3A_1088 = arith.maximumf %max3A_1086, %max3A_1087 : vector<512x1024xf32>
    %max3A_1089 = vector.broadcast %transpose3A_1014 : vector<512x1xf32> to vector<512x1024xf32>
    %max3A_1090 = vector.broadcast %slice3A_1082 : vector<1x1024xf32> to vector<512x1024xf32>
    %max3A_1091 = arith.maximumf %max3A_1089, %max3A_1090 : vector<512x1024xf32>
    %min3A_1092 = vector.broadcast %transpose3A_1015 : vector<512x1xf32> to vector<512x1024xf32>
    %min3A_1093 = vector.broadcast %slice3A_1083 : vector<1x1024xf32> to vector<512x1024xf32>
    %min3A_1094 = arith.minimumf %min3A_1092, %min3A_1093 : vector<512x1024xf32>
    %min3A_1095 = vector.broadcast %transpose3A_1016 : vector<512x1xf32> to vector<512x1024xf32>
    %min3A_1096 = vector.broadcast %slice3A_1084 : vector<1x1024xf32> to vector<512x1024xf32>
    %min3A_1097 = arith.minimumf %min3A_1095, %min3A_1096 : vector<512x1024xf32>
    %sub3A_1098 = arith.subf %min3A_1094, %max3A_1088 : vector<512x1024xf32>
    %add3A_1099 = arith.constant 1.000000e+00 : f32
    %add3A_1100 = vector.broadcast %add3A_1099 : f32 to vector<512x1024xf32>
    %add3A_1101 = arith.addf %sub3A_1098, %add3A_1100 : vector<512x1024xf32>
    %max3A_1102 = arith.constant 0.000000e+00 : f32
    %max3A_1103 = vector.broadcast %max3A_1102 : f32 to vector<512x1024xf32>
    %max3A_1104 = arith.maximumf %add3A_1101, %max3A_1103 : vector<512x1024xf32>
    %sub3A_1105 = arith.subf %min3A_1097, %max3A_1091 : vector<512x1024xf32>
    %add3A_1106 = arith.constant 1.000000e+00 : f32
    %add3A_1107 = vector.broadcast %add3A_1106 : f32 to vector<512x1024xf32>
    %add3A_1108 = arith.addf %sub3A_1105, %add3A_1107 : vector<512x1024xf32>
    %max3A_1109 = arith.constant 0.000000e+00 : f32
    %max3A_1110 = vector.broadcast %max3A_1109 : f32 to vector<512x1024xf32>
    %max3A_1111 = arith.maximumf %add3A_1108, %max3A_1110 : vector<512x1024xf32>
    %mul3A_1112 = arith.mulf %max3A_1104, %max3A_1111 : vector<512x1024xf32>
    %add3A_1113 = vector.broadcast %transpose3A_1017 : vector<512x1xf32> to vector<512x1024xf32>
    %add3A_1114 = vector.broadcast %slice3A_1085 : vector<1x1024xf32> to vector<512x1024xf32>
    %add3A_1115 = arith.addf %add3A_1113, %add3A_1114 : vector<512x1024xf32>
    %sub3A_1116 = arith.subf %add3A_1115, %mul3A_1112 : vector<512x1024xf32>
    %div3A_1117 = arith.divf %mul3A_1112, %sub3A_1116 : vector<512x1024xf32>
    %transpose3A_1118 = tpu.transpose %mul3A_1067, [1, 0] : vector<1x512xf32> -> vector<512x1xf32>
    %gt3A_1119 = arith.constant 0.699999988 : f32
    %gt3A_1120 = vector.broadcast %gt3A_1119 : f32 to vector<512x1024xf32>
    %gt3A_1121 = arith.cmpf ogt, %div3A_1117, %gt3A_1120 : vector<512x1024xf32>
    %jit3A_1122 = arith.constant 1.000000e+00 : f32
    %jit3A_1123 = arith.constant 0.000000e+00 : f32
    %broadcast_in_dim3A_1124 = vector.broadcast %jit3A_1122 : f32 to vector<512x1024xf32>
    %broadcast_in_dim3A_1125 = vector.broadcast %jit3A_1123 : f32 to vector<512x1024xf32>
    %select_n3A_1126 = arith.select %gt3A_1121, %broadcast_in_dim3A_1124, %broadcast_in_dim3A_1125 : vector<512x1024xi1>, vector<512x1024xf32>
    %mul3A_1127 = vector.broadcast %transpose3A_1118 : vector<512x1xf32> to vector<512x1024xf32>
    %mul3A_1128 = arith.mulf %select_n3A_1126, %mul3A_1127 : vector<512x1024xf32>
    %reduce_max3A_1129 = arith.constant dense<0xFF800000> : vector<1024xf32>
    %reduce_max3A_1130 = vector.multi_reduction <maximumf>, %mul3A_1128, %reduce_max3A_1129 [0] : vector<512x1024xf32> to vector<1024xf32>
    %broadcast_in_dim3A_1131 = vector.shape_cast %reduce_max3A_1130 : vector<1024xf32> to vector<1x1024xf32>
    %jit3A_1132 = arith.constant 0 : i32
    %convert_element_type3A_1133 = arith.sitofp %jit3A_1132 : i32 to f32
    %pad3A_1134 = vector.broadcast %convert_element_type3A_1133 : f32 to vector<1x4096xf32>
    %pad3A_1135 = tpu.concatenate %pad3A_1134, %broadcast_in_dim3A_1131 in 1 : vector<1x4096xf32>, vector<1x1024xf32> -> vector<1x5120xf32>
    %sub3A_1136 = arith.constant 1.000000e+00 : f32
    %sub3A_1137 = vector.broadcast %sub3A_1136 : f32 to vector<1x5120xf32>
    %sub3A_1138 = arith.subf %sub3A_1137, %pad3A_1135 : vector<1x5120xf32>
    %mul3A_1139 = arith.mulf %select_n3A_1007, %sub3A_1138 : vector<1x5120xf32>
    %select_n3A_1140 = arith.select %and3A_1074, %pad3A_1080, %mul3A_1139 : vector<1x5120xi1>, vector<1x5120xf32>
    %slice3A_1141 = vector.extract_strided_slice %sub3A_49 {offsets = [0, 4096], sizes = [1, 512], strides = [1, 1]} : vector<1x5120xf32> to vector<1x512xf32>
    %slice3A_1142 = vector.extract_strided_slice %sub3A_53 {offsets = [0, 4096], sizes = [1, 512], strides = [1, 1]} : vector<1x5120xf32> to vector<1x512xf32>
    %slice3A_1143 = vector.extract_strided_slice %sub3A_60 {offsets = [0, 4096], sizes = [1, 512], strides = [1, 1]} : vector<1x5120xf32> to vector<1x512xf32>
    %slice3A_1144 = vector.extract_strided_slice %sub3A_67 {offsets = [0, 4096], sizes = [1, 512], strides = [1, 1]} : vector<1x5120xf32> to vector<1x512xf32>
    %slice3A_1145 = vector.extract_strided_slice %mul3A_76 {offsets = [0, 4096], sizes = [1, 512], strides = [1, 1]} : vector<1x5120xf32> to vector<1x512xf32>
    %transpose3A_1146 = tpu.transpose %slice3A_1141, [1, 0] : vector<1x512xf32> -> vector<512x1xf32>
    %transpose3A_1147 = tpu.transpose %slice3A_1142, [1, 0] : vector<1x512xf32> -> vector<512x1xf32>
    %transpose3A_1148 = tpu.transpose %slice3A_1143, [1, 0] : vector<1x512xf32> -> vector<512x1xf32>
    %transpose3A_1149 = tpu.transpose %slice3A_1144, [1, 0] : vector<1x512xf32> -> vector<512x1xf32>
    %transpose3A_1150 = tpu.transpose %slice3A_1145, [1, 0] : vector<1x512xf32> -> vector<512x1xf32>
    %max3A_1151 = vector.broadcast %transpose3A_1146 : vector<512x1xf32> to vector<512x512xf32>
    %max3A_1152 = vector.broadcast %slice3A_1141 : vector<1x512xf32> to vector<512x512xf32>
    %max3A_1153 = arith.maximumf %max3A_1151, %max3A_1152 : vector<512x512xf32>
    %max3A_1154 = vector.broadcast %transpose3A_1147 : vector<512x1xf32> to vector<512x512xf32>
    %max3A_1155 = vector.broadcast %slice3A_1142 : vector<1x512xf32> to vector<512x512xf32>
    %max3A_1156 = arith.maximumf %max3A_1154, %max3A_1155 : vector<512x512xf32>
    %min3A_1157 = vector.broadcast %transpose3A_1148 : vector<512x1xf32> to vector<512x512xf32>
    %min3A_1158 = vector.broadcast %slice3A_1143 : vector<1x512xf32> to vector<512x512xf32>
    %min3A_1159 = arith.minimumf %min3A_1157, %min3A_1158 : vector<512x512xf32>
    %min3A_1160 = vector.broadcast %transpose3A_1149 : vector<512x1xf32> to vector<512x512xf32>
    %min3A_1161 = vector.broadcast %slice3A_1144 : vector<1x512xf32> to vector<512x512xf32>
    %min3A_1162 = arith.minimumf %min3A_1160, %min3A_1161 : vector<512x512xf32>
    %sub3A_1163 = arith.subf %min3A_1159, %max3A_1153 : vector<512x512xf32>
    %add3A_1164 = arith.constant 1.000000e+00 : f32
    %add3A_1165 = vector.broadcast %add3A_1164 : f32 to vector<512x512xf32>
    %add3A_1166 = arith.addf %sub3A_1163, %add3A_1165 : vector<512x512xf32>
    %max3A_1167 = arith.constant 0.000000e+00 : f32
    %max3A_1168 = vector.broadcast %max3A_1167 : f32 to vector<512x512xf32>
    %max3A_1169 = arith.maximumf %add3A_1166, %max3A_1168 : vector<512x512xf32>
    %sub3A_1170 = arith.subf %min3A_1162, %max3A_1156 : vector<512x512xf32>
    %add3A_1171 = arith.constant 1.000000e+00 : f32
    %add3A_1172 = vector.broadcast %add3A_1171 : f32 to vector<512x512xf32>
    %add3A_1173 = arith.addf %sub3A_1170, %add3A_1172 : vector<512x512xf32>
    %max3A_1174 = arith.constant 0.000000e+00 : f32
    %max3A_1175 = vector.broadcast %max3A_1174 : f32 to vector<512x512xf32>
    %max3A_1176 = arith.maximumf %add3A_1173, %max3A_1175 : vector<512x512xf32>
    %mul3A_1177 = arith.mulf %max3A_1169, %max3A_1176 : vector<512x512xf32>
    %add3A_1178 = vector.broadcast %transpose3A_1150 : vector<512x1xf32> to vector<512x512xf32>
    %add3A_1179 = vector.broadcast %slice3A_1145 : vector<1x512xf32> to vector<512x512xf32>
    %add3A_1180 = arith.addf %add3A_1178, %add3A_1179 : vector<512x512xf32>
    %sub3A_1181 = arith.subf %add3A_1180, %mul3A_1177 : vector<512x512xf32>
    %div3A_1182 = arith.divf %mul3A_1177, %sub3A_1181 : vector<512x512xf32>
    %gt3A_1183 = arith.constant 0.699999988 : f32
    %gt3A_1184 = vector.broadcast %gt3A_1183 : f32 to vector<512x512xf32>
    %gt3A_1185 = arith.cmpf ogt, %div3A_1182, %gt3A_1184 : vector<512x512xf32>
    %jit3A_1186 = arith.constant 1.000000e+00 : f32
    %jit3A_1187 = arith.constant 0.000000e+00 : f32
    %broadcast_in_dim3A_1188 = vector.broadcast %jit3A_1186 : f32 to vector<512x512xf32>
    %broadcast_in_dim3A_1189 = vector.broadcast %jit3A_1187 : f32 to vector<512x512xf32>
    %select_n3A_1190 = arith.select %gt3A_1185, %broadcast_in_dim3A_1188, %broadcast_in_dim3A_1189 : vector<512x512xi1>, vector<512x512xf32>
    %mul3A_1191 = arith.mulf %select_n3A_1190, %select_n3A_88 : vector<512x512xf32>
    %slice3A_1192 = vector.extract_strided_slice %select_n3A_1140 {offsets = [0, 4096], sizes = [1, 512], strides = [1, 1]} : vector<1x5120xf32> to vector<1x512xf32>
    %broadcast_in_dim3A_1193 = arith.constant 0.000000e+00 : f32
    %broadcast_in_dim3A_1194 = vector.broadcast %broadcast_in_dim3A_1193 : f32 to vector<1x512xf32>
    %while3A_1195 = arith.constant true
    %while3A_1196:2 = scf.while (%while3A_1430 = %broadcast_in_dim3A_1194, %while3A_1431 = %while3A_1195) : (vector<1x512xf32>, i1) -> (vector<1x512xf32>, i1) {
      scf.condition(%while3A_1431) %while3A_1430, %while3A_1431 : vector<1x512xf32>, i1
    } do {
    ^bb0(%while3A_1430: vector<1x512xf32>, %while3A_1431: i1):
      %sub3A_1432 = arith.constant 1.000000e+00 : f32
      %sub3A_1433 = vector.broadcast %sub3A_1432 : f32 to vector<1x512xf32>
      %sub3A_1434 = arith.subf %sub3A_1433, %while3A_1430 : vector<1x512xf32>
      %mul3A_1435 = arith.mulf %slice3A_1192, %sub3A_1434 : vector<1x512xf32>
      %transpose3A_1436 = tpu.transpose %mul3A_1435, [1, 0] : vector<1x512xf32> -> vector<512x1xf32>
      %mul3A_1437 = vector.broadcast %transpose3A_1436 : vector<512x1xf32> to vector<512x512xf32>
      %mul3A_1438 = arith.mulf %mul3A_1191, %mul3A_1437 : vector<512x512xf32>
      %reduce_max3A_1439 = arith.constant dense<0xFF800000> : vector<512xf32>
      %reduce_max3A_1440 = vector.multi_reduction <maximumf>, %mul3A_1438, %reduce_max3A_1439 [0] : vector<512x512xf32> to vector<512xf32>
      %broadcast_in_dim3A_1441 = vector.shape_cast %reduce_max3A_1440 : vector<512xf32> to vector<1x512xf32>
      %ne3A = arith.cmpf one, %broadcast_in_dim3A_1441, %while3A_1430 : vector<1x512xf32>
      %reduce_or3A = arith.constant 1.000000e+00 : f32
      %reduce_or3A_1442 = arith.constant 0.000000e+00 : f32
      %reduce_or3A_1443 = vector.broadcast %reduce_or3A : f32 to vector<1x512xf32>
      %reduce_or3A_1444 = vector.broadcast %reduce_or3A_1442 : f32 to vector<1x512xf32>
      %reduce_or3A_1445 = arith.select %ne3A, %reduce_or3A_1443, %reduce_or3A_1444 : vector<1x512xi1>, vector<1x512xf32>
      %reduce_or3A_1446 = vector.shape_cast %reduce_or3A_1445 : vector<1x512xf32> to vector<1x1x512xf32>
      %reduce_or3A_1447 = arith.constant dense<0xFF800000> : vector<1xf32>
      %reduce_or3A_1448 = vector.multi_reduction <maximumf>, %reduce_or3A_1446, %reduce_or3A_1447 [1, 2] : vector<1x1x512xf32> to vector<1xf32>
      %reduce_or3A_1449 = vector.shape_cast %reduce_or3A_1448 : vector<1xf32> to vector<1x1x1xf32>
      %reduce_or3A_1450 = vector.extract %reduce_or3A_1449[0, 0, 0] : f32 from vector<1x1x1xf32>
      %reduce_or3A_1451 = arith.constant 0.000000e+00 : f32
      %reduce_or3A_1452 = arith.cmpf ogt, %reduce_or3A_1450, %reduce_or3A_1451 : f32
      scf.yield %broadcast_in_dim3A_1441, %reduce_or3A_1452 : vector<1x512xf32>, i1
    }
    %sub3A_1197 = arith.constant 1.000000e+00 : f32
    %sub3A_1198 = vector.broadcast %sub3A_1197 : f32 to vector<1x512xf32>
    %sub3A_1199 = arith.subf %sub3A_1198, %while3A_1196#0 : vector<1x512xf32>
    %mul3A_1200 = arith.mulf %slice3A_1192, %sub3A_1199 : vector<1x512xf32>
    %ge3A_1201 = arith.constant 4096 : i32
    %ge3A_1202 = vector.broadcast %ge3A_1201 : i32 to vector<1x5120xi32>
    %ge3A_1203 = arith.cmpi sge, %iota3A, %ge3A_1202 : vector<1x5120xi32>
    %lt3A_1204 = arith.constant 4608 : i32
    %lt3A_1205 = vector.broadcast %lt3A_1204 : i32 to vector<1x5120xi32>
    %lt3A_1206 = arith.cmpi slt, %iota3A, %lt3A_1205 : vector<1x5120xi32>
    %and3A_1207 = arith.andi %ge3A_1203, %lt3A_1206 : vector<1x5120xi1>
    %jit3A_1208 = arith.constant 0 : i32
    %convert_element_type3A_1209 = arith.sitofp %jit3A_1208 : i32 to f32
    %pad3A_1210 = vector.broadcast %convert_element_type3A_1209 : f32 to vector<1x4096xf32>
    %pad3A_1211 = tpu.concatenate %pad3A_1210, %mul3A_1200 in 1 : vector<1x4096xf32>, vector<1x512xf32> -> vector<1x4608xf32>
    %pad3A_1212 = vector.broadcast %convert_element_type3A_1209 : f32 to vector<1x512xf32>
    %pad3A_1213 = tpu.concatenate %pad3A_1211, %pad3A_1212 in 1 : vector<1x4608xf32>, vector<1x512xf32> -> vector<1x5120xf32>
    %slice3A_1214 = vector.extract_strided_slice %sub3A_49 {offsets = [0, 4608], sizes = [1, 512], strides = [1, 1]} : vector<1x5120xf32> to vector<1x512xf32>
    %slice3A_1215 = vector.extract_strided_slice %sub3A_53 {offsets = [0, 4608], sizes = [1, 512], strides = [1, 1]} : vector<1x5120xf32> to vector<1x512xf32>
    %slice3A_1216 = vector.extract_strided_slice %sub3A_60 {offsets = [0, 4608], sizes = [1, 512], strides = [1, 1]} : vector<1x5120xf32> to vector<1x512xf32>
    %slice3A_1217 = vector.extract_strided_slice %sub3A_67 {offsets = [0, 4608], sizes = [1, 512], strides = [1, 1]} : vector<1x5120xf32> to vector<1x512xf32>
    %slice3A_1218 = vector.extract_strided_slice %mul3A_76 {offsets = [0, 4608], sizes = [1, 512], strides = [1, 1]} : vector<1x5120xf32> to vector<1x512xf32>
    %max3A_1219 = vector.broadcast %transpose3A_1146 : vector<512x1xf32> to vector<512x512xf32>
    %max3A_1220 = vector.broadcast %slice3A_1214 : vector<1x512xf32> to vector<512x512xf32>
    %max3A_1221 = arith.maximumf %max3A_1219, %max3A_1220 : vector<512x512xf32>
    %max3A_1222 = vector.broadcast %transpose3A_1147 : vector<512x1xf32> to vector<512x512xf32>
    %max3A_1223 = vector.broadcast %slice3A_1215 : vector<1x512xf32> to vector<512x512xf32>
    %max3A_1224 = arith.maximumf %max3A_1222, %max3A_1223 : vector<512x512xf32>
    %min3A_1225 = vector.broadcast %transpose3A_1148 : vector<512x1xf32> to vector<512x512xf32>
    %min3A_1226 = vector.broadcast %slice3A_1216 : vector<1x512xf32> to vector<512x512xf32>
    %min3A_1227 = arith.minimumf %min3A_1225, %min3A_1226 : vector<512x512xf32>
    %min3A_1228 = vector.broadcast %transpose3A_1149 : vector<512x1xf32> to vector<512x512xf32>
    %min3A_1229 = vector.broadcast %slice3A_1217 : vector<1x512xf32> to vector<512x512xf32>
    %min3A_1230 = arith.minimumf %min3A_1228, %min3A_1229 : vector<512x512xf32>
    %sub3A_1231 = arith.subf %min3A_1227, %max3A_1221 : vector<512x512xf32>
    %add3A_1232 = arith.constant 1.000000e+00 : f32
    %add3A_1233 = vector.broadcast %add3A_1232 : f32 to vector<512x512xf32>
    %add3A_1234 = arith.addf %sub3A_1231, %add3A_1233 : vector<512x512xf32>
    %max3A_1235 = arith.constant 0.000000e+00 : f32
    %max3A_1236 = vector.broadcast %max3A_1235 : f32 to vector<512x512xf32>
    %max3A_1237 = arith.maximumf %add3A_1234, %max3A_1236 : vector<512x512xf32>
    %sub3A_1238 = arith.subf %min3A_1230, %max3A_1224 : vector<512x512xf32>
    %add3A_1239 = arith.constant 1.000000e+00 : f32
    %add3A_1240 = vector.broadcast %add3A_1239 : f32 to vector<512x512xf32>
    %add3A_1241 = arith.addf %sub3A_1238, %add3A_1240 : vector<512x512xf32>
    %max3A_1242 = arith.constant 0.000000e+00 : f32
    %max3A_1243 = vector.broadcast %max3A_1242 : f32 to vector<512x512xf32>
    %max3A_1244 = arith.maximumf %add3A_1241, %max3A_1243 : vector<512x512xf32>
    %mul3A_1245 = arith.mulf %max3A_1237, %max3A_1244 : vector<512x512xf32>
    %add3A_1246 = vector.broadcast %transpose3A_1150 : vector<512x1xf32> to vector<512x512xf32>
    %add3A_1247 = vector.broadcast %slice3A_1218 : vector<1x512xf32> to vector<512x512xf32>
    %add3A_1248 = arith.addf %add3A_1246, %add3A_1247 : vector<512x512xf32>
    %sub3A_1249 = arith.subf %add3A_1248, %mul3A_1245 : vector<512x512xf32>
    %div3A_1250 = arith.divf %mul3A_1245, %sub3A_1249 : vector<512x512xf32>
    %transpose3A_1251 = tpu.transpose %mul3A_1200, [1, 0] : vector<1x512xf32> -> vector<512x1xf32>
    %gt3A_1252 = arith.constant 0.699999988 : f32
    %gt3A_1253 = vector.broadcast %gt3A_1252 : f32 to vector<512x512xf32>
    %gt3A_1254 = arith.cmpf ogt, %div3A_1250, %gt3A_1253 : vector<512x512xf32>
    %jit3A_1255 = arith.constant 1.000000e+00 : f32
    %jit3A_1256 = arith.constant 0.000000e+00 : f32
    %broadcast_in_dim3A_1257 = vector.broadcast %jit3A_1255 : f32 to vector<512x512xf32>
    %broadcast_in_dim3A_1258 = vector.broadcast %jit3A_1256 : f32 to vector<512x512xf32>
    %select_n3A_1259 = arith.select %gt3A_1254, %broadcast_in_dim3A_1257, %broadcast_in_dim3A_1258 : vector<512x512xi1>, vector<512x512xf32>
    %mul3A_1260 = vector.broadcast %transpose3A_1251 : vector<512x1xf32> to vector<512x512xf32>
    %mul3A_1261 = arith.mulf %select_n3A_1259, %mul3A_1260 : vector<512x512xf32>
    %reduce_max3A_1262 = arith.constant dense<0xFF800000> : vector<512xf32>
    %reduce_max3A_1263 = vector.multi_reduction <maximumf>, %mul3A_1261, %reduce_max3A_1262 [0] : vector<512x512xf32> to vector<512xf32>
    %broadcast_in_dim3A_1264 = vector.shape_cast %reduce_max3A_1263 : vector<512xf32> to vector<1x512xf32>
    %jit3A_1265 = arith.constant 0 : i32
    %convert_element_type3A_1266 = arith.sitofp %jit3A_1265 : i32 to f32
    %pad3A_1267 = vector.broadcast %convert_element_type3A_1266 : f32 to vector<1x4608xf32>
    %pad3A_1268 = tpu.concatenate %pad3A_1267, %broadcast_in_dim3A_1264 in 1 : vector<1x4608xf32>, vector<1x512xf32> -> vector<1x5120xf32>
    %sub3A_1269 = arith.constant 1.000000e+00 : f32
    %sub3A_1270 = vector.broadcast %sub3A_1269 : f32 to vector<1x5120xf32>
    %sub3A_1271 = arith.subf %sub3A_1270, %pad3A_1268 : vector<1x5120xf32>
    %mul3A_1272 = arith.mulf %select_n3A_1140, %sub3A_1271 : vector<1x5120xf32>
    %select_n3A_1273 = arith.select %and3A_1207, %pad3A_1213, %mul3A_1272 : vector<1x5120xi1>, vector<1x5120xf32>
    %slice3A_1274 = vector.extract_strided_slice %sub3A_49 {offsets = [0, 4608], sizes = [1, 512], strides = [1, 1]} : vector<1x5120xf32> to vector<1x512xf32>
    %slice3A_1275 = vector.extract_strided_slice %sub3A_53 {offsets = [0, 4608], sizes = [1, 512], strides = [1, 1]} : vector<1x5120xf32> to vector<1x512xf32>
    %slice3A_1276 = vector.extract_strided_slice %sub3A_60 {offsets = [0, 4608], sizes = [1, 512], strides = [1, 1]} : vector<1x5120xf32> to vector<1x512xf32>
    %slice3A_1277 = vector.extract_strided_slice %sub3A_67 {offsets = [0, 4608], sizes = [1, 512], strides = [1, 1]} : vector<1x5120xf32> to vector<1x512xf32>
    %slice3A_1278 = vector.extract_strided_slice %mul3A_76 {offsets = [0, 4608], sizes = [1, 512], strides = [1, 1]} : vector<1x5120xf32> to vector<1x512xf32>
    %transpose3A_1279 = tpu.transpose %slice3A_1274, [1, 0] : vector<1x512xf32> -> vector<512x1xf32>
    %transpose3A_1280 = tpu.transpose %slice3A_1275, [1, 0] : vector<1x512xf32> -> vector<512x1xf32>
    %transpose3A_1281 = tpu.transpose %slice3A_1276, [1, 0] : vector<1x512xf32> -> vector<512x1xf32>
    %transpose3A_1282 = tpu.transpose %slice3A_1277, [1, 0] : vector<1x512xf32> -> vector<512x1xf32>
    %transpose3A_1283 = tpu.transpose %slice3A_1278, [1, 0] : vector<1x512xf32> -> vector<512x1xf32>
    %max3A_1284 = vector.broadcast %transpose3A_1279 : vector<512x1xf32> to vector<512x512xf32>
    %max3A_1285 = vector.broadcast %slice3A_1274 : vector<1x512xf32> to vector<512x512xf32>
    %max3A_1286 = arith.maximumf %max3A_1284, %max3A_1285 : vector<512x512xf32>
    %max3A_1287 = vector.broadcast %transpose3A_1280 : vector<512x1xf32> to vector<512x512xf32>
    %max3A_1288 = vector.broadcast %slice3A_1275 : vector<1x512xf32> to vector<512x512xf32>
    %max3A_1289 = arith.maximumf %max3A_1287, %max3A_1288 : vector<512x512xf32>
    %min3A_1290 = vector.broadcast %transpose3A_1281 : vector<512x1xf32> to vector<512x512xf32>
    %min3A_1291 = vector.broadcast %slice3A_1276 : vector<1x512xf32> to vector<512x512xf32>
    %min3A_1292 = arith.minimumf %min3A_1290, %min3A_1291 : vector<512x512xf32>
    %min3A_1293 = vector.broadcast %transpose3A_1282 : vector<512x1xf32> to vector<512x512xf32>
    %min3A_1294 = vector.broadcast %slice3A_1277 : vector<1x512xf32> to vector<512x512xf32>
    %min3A_1295 = arith.minimumf %min3A_1293, %min3A_1294 : vector<512x512xf32>
    %sub3A_1296 = arith.subf %min3A_1292, %max3A_1286 : vector<512x512xf32>
    %add3A_1297 = arith.constant 1.000000e+00 : f32
    %add3A_1298 = vector.broadcast %add3A_1297 : f32 to vector<512x512xf32>
    %add3A_1299 = arith.addf %sub3A_1296, %add3A_1298 : vector<512x512xf32>
    %max3A_1300 = arith.constant 0.000000e+00 : f32
    %max3A_1301 = vector.broadcast %max3A_1300 : f32 to vector<512x512xf32>
    %max3A_1302 = arith.maximumf %add3A_1299, %max3A_1301 : vector<512x512xf32>
    %sub3A_1303 = arith.subf %min3A_1295, %max3A_1289 : vector<512x512xf32>
    %add3A_1304 = arith.constant 1.000000e+00 : f32
    %add3A_1305 = vector.broadcast %add3A_1304 : f32 to vector<512x512xf32>
    %add3A_1306 = arith.addf %sub3A_1303, %add3A_1305 : vector<512x512xf32>
    %max3A_1307 = arith.constant 0.000000e+00 : f32
    %max3A_1308 = vector.broadcast %max3A_1307 : f32 to vector<512x512xf32>
    %max3A_1309 = arith.maximumf %add3A_1306, %max3A_1308 : vector<512x512xf32>
    %mul3A_1310 = arith.mulf %max3A_1302, %max3A_1309 : vector<512x512xf32>
    %add3A_1311 = vector.broadcast %transpose3A_1283 : vector<512x1xf32> to vector<512x512xf32>
    %add3A_1312 = vector.broadcast %slice3A_1278 : vector<1x512xf32> to vector<512x512xf32>
    %add3A_1313 = arith.addf %add3A_1311, %add3A_1312 : vector<512x512xf32>
    %sub3A_1314 = arith.subf %add3A_1313, %mul3A_1310 : vector<512x512xf32>
    %div3A_1315 = arith.divf %mul3A_1310, %sub3A_1314 : vector<512x512xf32>
    %gt3A_1316 = arith.constant 0.699999988 : f32
    %gt3A_1317 = vector.broadcast %gt3A_1316 : f32 to vector<512x512xf32>
    %gt3A_1318 = arith.cmpf ogt, %div3A_1315, %gt3A_1317 : vector<512x512xf32>
    %jit3A_1319 = arith.constant 1.000000e+00 : f32
    %jit3A_1320 = arith.constant 0.000000e+00 : f32
    %broadcast_in_dim3A_1321 = vector.broadcast %jit3A_1319 : f32 to vector<512x512xf32>
    %broadcast_in_dim3A_1322 = vector.broadcast %jit3A_1320 : f32 to vector<512x512xf32>
    %select_n3A_1323 = arith.select %gt3A_1318, %broadcast_in_dim3A_1321, %broadcast_in_dim3A_1322 : vector<512x512xi1>, vector<512x512xf32>
    %mul3A_1324 = arith.mulf %select_n3A_1323, %select_n3A_88 : vector<512x512xf32>
    %slice3A_1325 = vector.extract_strided_slice %select_n3A_1273 {offsets = [0, 4608], sizes = [1, 512], strides = [1, 1]} : vector<1x5120xf32> to vector<1x512xf32>
    %broadcast_in_dim3A_1326 = arith.constant 0.000000e+00 : f32
    %broadcast_in_dim3A_1327 = vector.broadcast %broadcast_in_dim3A_1326 : f32 to vector<1x512xf32>
    %while3A_1328 = arith.constant true
    %while3A_1329:2 = scf.while (%while3A_1430 = %broadcast_in_dim3A_1327, %while3A_1431 = %while3A_1328) : (vector<1x512xf32>, i1) -> (vector<1x512xf32>, i1) {
      scf.condition(%while3A_1431) %while3A_1430, %while3A_1431 : vector<1x512xf32>, i1
    } do {
    ^bb0(%while3A_1430: vector<1x512xf32>, %while3A_1431: i1):
      %sub3A_1432 = arith.constant 1.000000e+00 : f32
      %sub3A_1433 = vector.broadcast %sub3A_1432 : f32 to vector<1x512xf32>
      %sub3A_1434 = arith.subf %sub3A_1433, %while3A_1430 : vector<1x512xf32>
      %mul3A_1435 = arith.mulf %slice3A_1325, %sub3A_1434 : vector<1x512xf32>
      %transpose3A_1436 = tpu.transpose %mul3A_1435, [1, 0] : vector<1x512xf32> -> vector<512x1xf32>
      %mul3A_1437 = vector.broadcast %transpose3A_1436 : vector<512x1xf32> to vector<512x512xf32>
      %mul3A_1438 = arith.mulf %mul3A_1324, %mul3A_1437 : vector<512x512xf32>
      %reduce_max3A_1439 = arith.constant dense<0xFF800000> : vector<512xf32>
      %reduce_max3A_1440 = vector.multi_reduction <maximumf>, %mul3A_1438, %reduce_max3A_1439 [0] : vector<512x512xf32> to vector<512xf32>
      %broadcast_in_dim3A_1441 = vector.shape_cast %reduce_max3A_1440 : vector<512xf32> to vector<1x512xf32>
      %ne3A = arith.cmpf one, %broadcast_in_dim3A_1441, %while3A_1430 : vector<1x512xf32>
      %reduce_or3A = arith.constant 1.000000e+00 : f32
      %reduce_or3A_1442 = arith.constant 0.000000e+00 : f32
      %reduce_or3A_1443 = vector.broadcast %reduce_or3A : f32 to vector<1x512xf32>
      %reduce_or3A_1444 = vector.broadcast %reduce_or3A_1442 : f32 to vector<1x512xf32>
      %reduce_or3A_1445 = arith.select %ne3A, %reduce_or3A_1443, %reduce_or3A_1444 : vector<1x512xi1>, vector<1x512xf32>
      %reduce_or3A_1446 = vector.shape_cast %reduce_or3A_1445 : vector<1x512xf32> to vector<1x1x512xf32>
      %reduce_or3A_1447 = arith.constant dense<0xFF800000> : vector<1xf32>
      %reduce_or3A_1448 = vector.multi_reduction <maximumf>, %reduce_or3A_1446, %reduce_or3A_1447 [1, 2] : vector<1x1x512xf32> to vector<1xf32>
      %reduce_or3A_1449 = vector.shape_cast %reduce_or3A_1448 : vector<1xf32> to vector<1x1x1xf32>
      %reduce_or3A_1450 = vector.extract %reduce_or3A_1449[0, 0, 0] : f32 from vector<1x1x1xf32>
      %reduce_or3A_1451 = arith.constant 0.000000e+00 : f32
      %reduce_or3A_1452 = arith.cmpf ogt, %reduce_or3A_1450, %reduce_or3A_1451 : f32
      scf.yield %broadcast_in_dim3A_1441, %reduce_or3A_1452 : vector<1x512xf32>, i1
    }
    %sub3A_1330 = arith.constant 1.000000e+00 : f32
    %sub3A_1331 = vector.broadcast %sub3A_1330 : f32 to vector<1x512xf32>
    %sub3A_1332 = arith.subf %sub3A_1331, %while3A_1329#0 : vector<1x512xf32>
    %mul3A_1333 = arith.mulf %slice3A_1325, %sub3A_1332 : vector<1x512xf32>
    %ge3A_1334 = arith.constant 4608 : i32
    %ge3A_1335 = vector.broadcast %ge3A_1334 : i32 to vector<1x5120xi32>
    %ge3A_1336 = arith.cmpi sge, %iota3A, %ge3A_1335 : vector<1x5120xi32>
    %lt3A_1337 = arith.constant 5120 : i32
    %lt3A_1338 = vector.broadcast %lt3A_1337 : i32 to vector<1x5120xi32>
    %lt3A_1339 = arith.cmpi slt, %iota3A, %lt3A_1338 : vector<1x5120xi32>
    %and3A_1340 = arith.andi %ge3A_1336, %lt3A_1339 : vector<1x5120xi1>
    %jit3A_1341 = arith.constant 0 : i32
    %convert_element_type3A_1342 = arith.sitofp %jit3A_1341 : i32 to f32
    %pad3A_1343 = vector.broadcast %convert_element_type3A_1342 : f32 to vector<1x4608xf32>
    %pad3A_1344 = tpu.concatenate %pad3A_1343, %mul3A_1333 in 1 : vector<1x4608xf32>, vector<1x512xf32> -> vector<1x5120xf32>
    %select_n3A_1345 = arith.select %and3A_1340, %pad3A_1344, %select_n3A_1273 : vector<1x5120xi1>, vector<1x5120xf32>
    %broadcast_in_dim3A_1346 = arith.constant 0.000000e+00 : f32
    %broadcast_in_dim3A_1347 = vector.broadcast %broadcast_in_dim3A_1346 : f32 to vector<1x1xf32>
    %slice3A_1348 = vector.extract_strided_slice %select_n3A_1345 {offsets = [0, 0], sizes = [1, 5119], strides = [1, 1]} : vector<1x5120xf32> to vector<1x5119xf32>
    %concatenate3A = tpu.concatenate %broadcast_in_dim3A_1347, %slice3A_1348 in 1 : vector<1x1xf32>, vector<1x5119xf32> -> vector<1x5120xf32>
    %add3A_1349 = arith.addf %select_n3A_1345, %concatenate3A : vector<1x5120xf32>
    %broadcast_in_dim3A_1350 = arith.constant 0.000000e+00 : f32
    %broadcast_in_dim3A_1351 = vector.broadcast %broadcast_in_dim3A_1350 : f32 to vector<1x2xf32>
    %slice3A_1352 = vector.extract_strided_slice %add3A_1349 {offsets = [0, 0], sizes = [1, 5118], strides = [1, 1]} : vector<1x5120xf32> to vector<1x5118xf32>
    %concatenate3A_1353 = tpu.concatenate %broadcast_in_dim3A_1351, %slice3A_1352 in 1 : vector<1x2xf32>, vector<1x5118xf32> -> vector<1x5120xf32>
    %add3A_1354 = arith.addf %add3A_1349, %concatenate3A_1353 : vector<1x5120xf32>
    %broadcast_in_dim3A_1355 = arith.constant 0.000000e+00 : f32
    %broadcast_in_dim3A_1356 = vector.broadcast %broadcast_in_dim3A_1355 : f32 to vector<1x4xf32>
    %slice3A_1357 = vector.extract_strided_slice %add3A_1354 {offsets = [0, 0], sizes = [1, 5116], strides = [1, 1]} : vector<1x5120xf32> to vector<1x5116xf32>
    %concatenate3A_1358 = tpu.concatenate %broadcast_in_dim3A_1356, %slice3A_1357 in 1 : vector<1x4xf32>, vector<1x5116xf32> -> vector<1x5120xf32>
    %add3A_1359 = arith.addf %add3A_1354, %concatenate3A_1358 : vector<1x5120xf32>
    %broadcast_in_dim3A_1360 = arith.constant 0.000000e+00 : f32
    %broadcast_in_dim3A_1361 = vector.broadcast %broadcast_in_dim3A_1360 : f32 to vector<1x8xf32>
    %slice3A_1362 = vector.extract_strided_slice %add3A_1359 {offsets = [0, 0], sizes = [1, 5112], strides = [1, 1]} : vector<1x5120xf32> to vector<1x5112xf32>
    %concatenate3A_1363 = tpu.concatenate %broadcast_in_dim3A_1361, %slice3A_1362 in 1 : vector<1x8xf32>, vector<1x5112xf32> -> vector<1x5120xf32>
    %add3A_1364 = arith.addf %add3A_1359, %concatenate3A_1363 : vector<1x5120xf32>
    %broadcast_in_dim3A_1365 = arith.constant 0.000000e+00 : f32
    %broadcast_in_dim3A_1366 = vector.broadcast %broadcast_in_dim3A_1365 : f32 to vector<1x16xf32>
    %slice3A_1367 = vector.extract_strided_slice %add3A_1364 {offsets = [0, 0], sizes = [1, 5104], strides = [1, 1]} : vector<1x5120xf32> to vector<1x5104xf32>
    %concatenate3A_1368 = tpu.concatenate %broadcast_in_dim3A_1366, %slice3A_1367 in 1 : vector<1x16xf32>, vector<1x5104xf32> -> vector<1x5120xf32>
    %add3A_1369 = arith.addf %add3A_1364, %concatenate3A_1368 : vector<1x5120xf32>
    %broadcast_in_dim3A_1370 = arith.constant 0.000000e+00 : f32
    %broadcast_in_dim3A_1371 = vector.broadcast %broadcast_in_dim3A_1370 : f32 to vector<1x32xf32>
    %slice3A_1372 = vector.extract_strided_slice %add3A_1369 {offsets = [0, 0], sizes = [1, 5088], strides = [1, 1]} : vector<1x5120xf32> to vector<1x5088xf32>
    %concatenate3A_1373 = tpu.concatenate %broadcast_in_dim3A_1371, %slice3A_1372 in 1 : vector<1x32xf32>, vector<1x5088xf32> -> vector<1x5120xf32>
    %add3A_1374 = arith.addf %add3A_1369, %concatenate3A_1373 : vector<1x5120xf32>
    %broadcast_in_dim3A_1375 = arith.constant 0.000000e+00 : f32
    %broadcast_in_dim3A_1376 = vector.broadcast %broadcast_in_dim3A_1375 : f32 to vector<1x64xf32>
    %slice3A_1377 = vector.extract_strided_slice %add3A_1374 {offsets = [0, 0], sizes = [1, 5056], strides = [1, 1]} : vector<1x5120xf32> to vector<1x5056xf32>
    %concatenate3A_1378 = tpu.concatenate %broadcast_in_dim3A_1376, %slice3A_1377 in 1 : vector<1x64xf32>, vector<1x5056xf32> -> vector<1x5120xf32>
    %add3A_1379 = arith.addf %add3A_1374, %concatenate3A_1378 : vector<1x5120xf32>
    %broadcast_in_dim3A_1380 = arith.constant 0.000000e+00 : f32
    %broadcast_in_dim3A_1381 = vector.broadcast %broadcast_in_dim3A_1380 : f32 to vector<1x128xf32>
    %slice3A_1382 = vector.extract_strided_slice %add3A_1379 {offsets = [0, 0], sizes = [1, 4992], strides = [1, 1]} : vector<1x5120xf32> to vector<1x4992xf32>
    %concatenate3A_1383 = tpu.concatenate %broadcast_in_dim3A_1381, %slice3A_1382 in 1 : vector<1x128xf32>, vector<1x4992xf32> -> vector<1x5120xf32>
    %add3A_1384 = arith.addf %add3A_1379, %concatenate3A_1383 : vector<1x5120xf32>
    %broadcast_in_dim3A_1385 = arith.constant 0.000000e+00 : f32
    %broadcast_in_dim3A_1386 = vector.broadcast %broadcast_in_dim3A_1385 : f32 to vector<1x256xf32>
    %slice3A_1387 = vector.extract_strided_slice %add3A_1384 {offsets = [0, 0], sizes = [1, 4864], strides = [1, 1]} : vector<1x5120xf32> to vector<1x4864xf32>
    %concatenate3A_1388 = tpu.concatenate %broadcast_in_dim3A_1386, %slice3A_1387 in 1 : vector<1x256xf32>, vector<1x4864xf32> -> vector<1x5120xf32>
    %add3A_1389 = arith.addf %add3A_1384, %concatenate3A_1388 : vector<1x5120xf32>
    %broadcast_in_dim3A_1390 = arith.constant 0.000000e+00 : f32
    %broadcast_in_dim3A_1391 = vector.broadcast %broadcast_in_dim3A_1390 : f32 to vector<1x512xf32>
    %slice3A_1392 = vector.extract_strided_slice %add3A_1389 {offsets = [0, 0], sizes = [1, 4608], strides = [1, 1]} : vector<1x5120xf32> to vector<1x4608xf32>
    %concatenate3A_1393 = tpu.concatenate %broadcast_in_dim3A_1391, %slice3A_1392 in 1 : vector<1x512xf32>, vector<1x4608xf32> -> vector<1x5120xf32>
    %add3A_1394 = arith.addf %add3A_1389, %concatenate3A_1393 : vector<1x5120xf32>
    %broadcast_in_dim3A_1395 = arith.constant 0.000000e+00 : f32
    %broadcast_in_dim3A_1396 = vector.broadcast %broadcast_in_dim3A_1395 : f32 to vector<1x1024xf32>
    %slice3A_1397 = vector.extract_strided_slice %add3A_1394 {offsets = [0, 0], sizes = [1, 4096], strides = [1, 1]} : vector<1x5120xf32> to vector<1x4096xf32>
    %concatenate3A_1398 = tpu.concatenate %broadcast_in_dim3A_1396, %slice3A_1397 in 1 : vector<1x1024xf32>, vector<1x4096xf32> -> vector<1x5120xf32>
    %add3A_1399 = arith.addf %add3A_1394, %concatenate3A_1398 : vector<1x5120xf32>
    %broadcast_in_dim3A_1400 = arith.constant 0.000000e+00 : f32
    %broadcast_in_dim3A_1401 = vector.broadcast %broadcast_in_dim3A_1400 : f32 to vector<1x2048xf32>
    %slice3A_1402 = vector.extract_strided_slice %add3A_1399 {offsets = [0, 0], sizes = [1, 3072], strides = [1, 1]} : vector<1x5120xf32> to vector<1x3072xf32>
    %concatenate3A_1403 = tpu.concatenate %broadcast_in_dim3A_1401, %slice3A_1402 in 1 : vector<1x2048xf32>, vector<1x3072xf32> -> vector<1x5120xf32>
    %add3A_1404 = arith.addf %add3A_1399, %concatenate3A_1403 : vector<1x5120xf32>
    %broadcast_in_dim3A_1405 = arith.constant 0.000000e+00 : f32
    %broadcast_in_dim3A_1406 = vector.broadcast %broadcast_in_dim3A_1405 : f32 to vector<1x4096xf32>
    %slice3A_1407 = vector.extract_strided_slice %add3A_1404 {offsets = [0, 0], sizes = [1, 1024], strides = [1, 1]} : vector<1x5120xf32> to vector<1x1024xf32>
    %concatenate3A_1408 = tpu.concatenate %broadcast_in_dim3A_1406, %slice3A_1407 in 1 : vector<1x4096xf32>, vector<1x1024xf32> -> vector<1x5120xf32>
    %add3A_1409 = arith.addf %add3A_1404, %concatenate3A_1408 : vector<1x5120xf32>
    %sub3A_1410 = arith.subf %add3A_1409, %select_n3A_1345 : vector<1x5120xf32>
    %iota3A_1411 = tpu.iota {dimensions = array<i32: 0>} : vector<1000x5120xi32>
    %convert_element_type3A_1412 = arith.fptosi %sub3A_1410 : vector<1x5120xf32> to vector<1x5120xi32>
    %eq3A = vector.broadcast %convert_element_type3A_1412 : vector<1x5120xi32> to vector<1000x5120xi32>
    %eq3A_1413 = arith.cmpi eq, %iota3A_1411, %eq3A : vector<1000x5120xi32>
    %jit3A_1414 = arith.constant 1.000000e+00 : f32
    %jit3A_1415 = arith.constant 0.000000e+00 : f32
    %broadcast_in_dim3A_1416 = vector.broadcast %jit3A_1414 : f32 to vector<1000x5120xf32>
    %broadcast_in_dim3A_1417 = vector.broadcast %jit3A_1415 : f32 to vector<1000x5120xf32>
    %select_n3A_1418 = arith.select %eq3A_1413, %broadcast_in_dim3A_1416, %broadcast_in_dim3A_1417 : vector<1000x5120xi1>, vector<1000x5120xf32>
    %mul3A_1419 = vector.broadcast %select_n3A_1345 : vector<1x5120xf32> to vector<1000x5120xf32>
    %mul3A_1420 = arith.mulf %select_n3A_1418, %mul3A_1419 : vector<1000x5120xf32>
    %broadcast_in_dim3A_1421 = arith.constant 0.000000e+00 : f32
    %broadcast_in_dim3A_1422 = vector.broadcast %broadcast_in_dim3A_1421 : f32 to vector<3x5120xf32>
    %concatenate3A_1423 = tpu.concatenate %sub3A_49, %sub3A_53, %sub3A_60, %sub3A_67, %get3A_3, %broadcast_in_dim3A_1422 in 0 : vector<1x5120xf32>, vector<1x5120xf32>, vector<1x5120xf32>, vector<1x5120xf32>, vector<1x5120xf32>, vector<3x5120xf32> -> vector<8x5120xf32>
    %dot_general3A = arith.constant dense<0.000000e+00> : vector<8x1000xf32>
    %dot_general3A_1424 = tpu.matmul %concatenate3A_1423, %mul3A_1420, %dot_general3A {dimension_numbers = #tpu.dot_dimension_numbers<[1], [1], [0], [0], [0, 0, 1, 0], [], []>, transpose_lhs_hint = false} : vector<8x5120xf32>, vector<1000x5120xf32>, vector<8x1000xf32> -> vector<8x1000xf32>
    %swap3A = arith.constant 0 : index
    %swap3A_1425 = arith.constant 0 : index
    %swap3A_1426 = arith.constant 0 : index
    %swap3A_1427 = vector.load %arg4[%swap3A, %swap3A_1425, %swap3A_1426] : memref<1x8x1000xf32, #tpu.memory_space<vmem>>, vector<1x8x1000xf32>
    %swap3A_1428 = vector.shape_cast %swap3A_1427 : vector<1x8x1000xf32> to vector<8x1000xf32>
    %swap3A_1429 = vector.shape_cast %dot_general3A_1424 : vector<8x1000xf32> to vector<1x8x1000xf32>
    tpu.vector_store %arg4[%swap3A, %swap3A_1425, %swap3A_1426], %swap3A_1429 {strides = array<i32>} : memref<1x8x1000xf32, #tpu.memory_space<vmem>>, vector<1x8x1000xf32>,
    return
  }
  func.func @transform_0(%arg0: i32) -> (i32, i32, i32) {
    %c0_i32 = arith.constant 0 : i32
    %c0_i32_0 = arith.constant 0 : i32
    %c0_i32_1 = arith.constant 0 : i32
    return %arg0, %c0_i32, %c0_i32_0 : i32, i32, i32
  }
  func.func @transform_1(%arg0: i32) -> (i32, i32, i32) {
    %c0_i32 = arith.constant 0 : i32
    %c0_i32_0 = arith.constant 0 : i32
    %c0_i32_1 = arith.constant 0 : i32
    return %arg0, %c0_i32, %c0_i32_0 : i32, i32, i32
  }
  func.func @transform_2(%arg0: i32) -> (i32, i32, i32) {
    %c0_i32 = arith.constant 0 : i32
    %c0_i32_0 = arith.constant 0 : i32
    %c0_i32_1 = arith.constant 0 : i32
    return %arg0, %c0_i32, %c0_i32_0 : i32, i32, i32
  }
  func.func @transform_3(%arg0: i32) -> (i32, i32, i32) {
    %c0_i32 = arith.constant 0 : i32
    %c0_i32_0 = arith.constant 0 : i32
    %c0_i32_1 = arith.constant 0 : i32
    return %arg0, %c0_i32, %c0_i32_0 : i32, i32, i32
  }
}

</mosaic_0001>

<sc_bundles>
// kernel: kernel.4.cloned.1.call-start
scs
__scs_entry_jumppad:
0x0: {  	(pc) =	sbr.rel $0x88, $3  }
0x1: {  	(tag) =	ssettag $0x0;
	lr =	simm.s32 $0x1  }
0x2: {  	[smem:$0x3F9E] =	sst lr;
	_ =	strace $0xD0000000  }
0x3: {  	_ = 	snop  }
0x4: {  	_ = 	snop  }
0x5: {  	_ = 	snop  }
0x6: {  	_ = 	snop  }
0x7: {  	_ = 	snop  }
__scs_overlays_trampoline_lowered:
0x8: {  	[smem:$0x3FAD] =	sst s0  }
0x9: {  	[smem:$0x3FAE] =	sst s1  }
0xa: {  	[smem:$0x3FAF] =	sst s2  }
0xb: {  	[smem:$0x3FB0] =	sst s3  }
0xc: {  	[smem:$0x3FB1] =	sst s4  }
0xd: {  	[smem:$0x3FB2] =	sst s5  }
0xe: {  	[smem:$0x3FB3] =	sst s6  }
0xf: {  	[smem:$0x3FB4] =	sst s7  }
0x10: {  	[smem:$0x3FB5] =	sst s8  }
0x11: {  	[smem:$0x3FB6] =	sst s9;
	s0 =	simm.s32 @!p0 $0x0  }
0x12: {  	s1 =	sld [smem:$0x3F9C];
	s0 =	simm.s32 @p0 $0x1  }
0x13: {  	[smem:$0x3FB7] =	sst s0;
	s0 =	simm.s32 @!p1 $0x0  }
0x14: {  	s2 =	sld [smem:$0x3F9B];
	s0 =	simm.s32 @p1 $0x1  }
0x15: {  	[smem:$0x3FB8] =	sst s0;
	s0 =	simm.s32 @!p2 $0x0  }
0x16: {  	s3 =	sld [smem:$0x3FDB];
	s0 =	simm.s32 @p2 $0x1  }
0x17: {  	s4 =	simm.s32 $0x1BF5;
	[smem:$0x3FBA] =	sst s0  }
0x18: {  	s0 =	sld [smem:$0x3F9D];
	_ =	swait.ge [sflag:s4], $0x0  }
0x19: {  	s7 =	sld [smem:$0x3F9E]  }
0x1a: {  	s8 =	sadd.s32 $0xFFFFE003, lr  }
0x1b: {  	s9 =	sadd.s32 $0xFFFFFEF7, lr;
	s5 =	simm.s32 $0xFFFFFFFF;
	p2 =	slt.u32 s8, $0xFFFFF086  }
0x1c: {  	p1 =	slt.u32 s9, $0xF7A;
	s5 =	simm.s32 @!p2 $0x0  }
0x1d: {  	s5 =	simm.s32 @p1 $0x1;
	p0 =	seq.s32 s7, s2  }
0x1e: {  	s7 =	smul.u32 @!p0 $0xF7A, s2;
	p2 =	seq.s32 @!p0 s5, $0x0  }
0x1f: {  	s9 =	smul.u32 $0xF7A, s1;
	s8 =	simm.s32 @!p0 $0x1BF5;
	p2 =	por !p2, p0  }
0x20: {  	[sflag:s8] =	ssyncset.s32 @!p0 $0xFFFFF086;
	s6 =	sadd.s32 @!p0 s3, s7;
	s7 =	simm.s32 @!p0 $0x108  }
0x21: {  	s3 =	sadd.s32 s3, s9;
	s6 =	sadd.s32 @!p0 $0x88, s6;
	s7 =	simm.s32 @p2 $0x1082  }
0x22: {  	[simem:s7], [sflag:s8] =	dma.local @!p0 [hbm:s6], $0xF7A  }
0x23: {  	s9 =	sor.u32 $0xD0000000, s2;
	s6 =	simm.s32 $0x108;
	_ =	swait.ge @!p0 [sflag:s8], $0x0  }
0x24: {  	s3 =	sadd.s32 $0x88, s3;
	s6 =	simm.s32 @!p1 $0x1082;
	[sflag:s4] =	ssyncset.s32 $0xFFFFF086  }
0x25: {  	[simem:s6], [sflag:s4] =	dma.local [hbm:s3], $0xF7A  }
0x26: {  	[smem:$0x3F9E] =	sst s1;
	(tag) =	ssettag s2;
	_ =	strace s9  }
0x27: {  	s1 =	sld [smem:$0x3FAE]  }
0x28: {  	s2 =	sld [smem:$0x3FAF]  }
0x29: {  	s4 =	sld [smem:$0x3FB1]  }
0x2a: {  	p0 =	seq.s32 s5, $0x0;
	s5 =	sld [smem:$0x3FB2]  }
0x2b: {  	s6 =	sld [smem:$0x3FB3]  }
0x2c: {  	s7 =	sld [smem:$0x3FB4]  }
0x2d: {  	s3 =	simm.s32 $0x108;
	s8 =	sld [smem:$0x3FB5]  }
0x2e: {  	s3 =	simm.s32 @!p0 $0x1082;
	s9 =	sld [smem:$0x3FB6]  }
0x2f: {  	lr =	sadd.s32 s0, s3;
	s0 =	sld [smem:$0x3FAD]  }
0x30: {  	s3 =	sld [smem:$0x3FB0]  }
0x31: {  	[smem:$0x3FB9] =	sst s10  }
0x32: {  	s10 =	sld [smem:$0x3FB7];
	_ =	sdelay $0x3  }
0x33: {  	p0 =	seq.s32 s10, $0x1;
	s10 =	sld [smem:$0x3FB9];
	_ =	sdelay $0x3  }
0x34: {  	[smem:$0x3FB9] =	sst s10  }
0x35: {  	s10 =	sld [smem:$0x3FB8];
	_ =	sdelay $0x3  }
0x36: {  	p1 =	seq.s32 s10, $0x1;
	s10 =	sld [smem:$0x3FB9];
	_ =	sdelay $0x3  }
0x37: {  	[smem:$0x3FB9] =	sst s10  }
0x38: {  	s10 =	sld [smem:$0x3FBA]  }
0x39: {  	_ = 	snop;
	(pc) =	sbr.ind lr, $3  }
0x3a: {  	_ = 	snop  }
0x3b: {  	_ = 	snop  }
0x3c: {  	p2 =	seq.s32 s10, $0x1;
	s10 =	sld [smem:$0x3FB9]  }
0x3d: {  	_ =	shalt  }
0x3e: {  	_ =	shalt  }
0x3f: {  	_ =	shalt  }
0x40: {  	_ =	shalt  }
0x41: {  	_ =	shalt  }
0x42: {  	_ =	shalt  }
0x43: {  	_ =	shalt  }
0x44: {  	_ =	shalt  }
0x45: {  	_ =	shalt  }
0x46: {  	_ =	shalt  }
0x47: {  	_ =	shalt  }
0x48: {  	_ =	shalt  }
0x49: {  	_ =	shalt  }
0x4a: {  	_ =	shalt  }
0x4b: {  	_ =	shalt  }
0x4c: {  	_ =	shalt  }
0x4d: {  	_ =	shalt  }
0x4e: {  	_ =	shalt  }
0x4f: {  	_ =	shalt  }
0x50: {  	_ =	shalt  }
0x51: {  	_ =	shalt  }
0x52: {  	_ =	shalt  }
0x53: {  	_ =	shalt  }
0x54: {  	_ =	shalt  }
0x55: {  	_ =	shalt  }
0x56: {  	_ =	shalt  }
0x57: {  	_ =	shalt  }
0x58: {  	_ =	shalt  }
0x59: {  	_ =	shalt  }
0x5a: {  	_ =	shalt  }
0x5b: {  	_ =	shalt  }
0x5c: {  	_ =	shalt  }
0x5d: {  	_ =	shalt  }
0x5e: {  	_ =	shalt  }
0x5f: {  	_ =	shalt  }
0x60: {  	_ =	shalt  }
0x61: {  	_ =	shalt  }
0x62: {  	_ =	shalt  }
0x63: {  	_ =	shalt  }
0x64: {  	_ =	shalt  }
0x65: {  	_ =	shalt  }
0x66: {  	_ =	shalt  }
0x67: {  	_ =	shalt  }
0x68: {  	_ =	shalt  }
0x69: {  	_ =	shalt  }
0x6a: {  	_ =	shalt  }
0x6b: {  	_ =	shalt  }
0x6c: {  	_ =	shalt  }
0x6d: {  	_ =	shalt  }
0x6e: {  	_ =	shalt  }
0x6f: {  	_ =	shalt  }
0x70: {  	_ =	shalt  }
0x71: {  	_ =	shalt  }
0x72: {  	_ =	shalt  }
0x73: {  	_ =	shalt  }
0x74: {  	_ =	shalt  }
0x75: {  	_ =	shalt  }
0x76: {  	_ =	shalt  }
0x77: {  	_ =	shalt  }
0x78: {  	_ =	shalt  }
0x79: {  	_ =	shalt  }
0x7a: {  	_ =	shalt  }
0x7b: {  	_ =	shalt  }
0x7c: {  	_ =	shalt  }
0x7d: {  	_ =	shalt  }
0x7e: {  	_ =	shalt  }
0x7f: {  	_ =	shalt  }
0x80: {  	_ =	shalt  }
0x81: {  	_ =	shalt  }
0x82: {  	_ =	shalt  }
0x83: {  	_ =	shalt  }
0x84: {  	_ =	shalt  }
0x85: {  	_ =	shalt  }
0x86: {  	_ =	shalt  }
0x87: {  	_ =	shalt  }
.Lfunc_end0:
.L_simem_size_0:
called_computation.1_lowered:
.L_overlay_start_0:
0x88: {  	s2 =	sld [smem:$0x3FD9]  }
0x89: {  	s3 =	sld [smem:$0x3FFE];
	_ =	sdelay $0x1  }
0x8a: {  	s1 =	srdreg.scid  }
0x8b: {  	s0 =	sand.u32 $0x1, s1  }
0x8c: {  	s17 =	sshll.u32 s0, $0xA;
	s2 =	sadd.s32 s3, s2  }
0x8d: {  	s2 =	sadd.s32 s2, s17  }
0x8e: {  	[smem:$0x3FC5] =	sst s2  }
0x8f: {  	_ = 	snop  }
0x90: {  	s2 =	sld [smem:$0x3FD0];
	(tm) =	ssettm $0x1  }
0x91: {  	s18 =	sld [smem:$0x3FFB];
	_ =	sdelay $0x3  }
0x92: {  	_ =	strace s18  }
0x93: {  	s3 =	sld [smem:$0x3FFC];
	_ =	sdelay $0x3  }
0x94: {  	_ =	strace s3  }
0x95: {  	s3 =	sld [smem:$0x3FFD];
	_ =	sdelay $0x3  }
0x96: {  	_ =	strace s3  }
0x97: {  	_ =	strace $0x8FFFFFFF  }
0x98: {  	s19 =	sld [smem:$0x3FDB];
	_ =	sdelay $0x1  }
0x99: {  	s4 =	simm.s32 $_scs_section_size  }
0x9a: {  	s5 =	simm.s32 $_size__tile_overlayer_lowered;
	s6 =	simm.s32 $_tile_overlayer_lowered  }
0x9b: {  	s22 =	simm.s32 $0x1BFF;
	s21 =	sshll.u32 s6, $0x1;
	s3 =	sadd.s32 s4, s19  }
0x9c: {  	s7 =	simm.s32 $0x0;
	s20 =	sshll.u32 s5, $0x1;
	s5 =	sadd.s32 s21, s3  }
0x9d: {  	[timem:s7], [sflag:s22] =	dma.local [hbm:s5], s20  }
0x9e: {  	_ =	swait.ge [sflag:s22], s20  }
0x9f: {  	s4 =	ssub.s32 $0x0, s20;
	[sflag:s22] =	ssyncset.done $0x0  }
0xa0: {  	[sflag:s22] =	ssyncadd.s32 s4;
	_ =	sdelay $0x1  }
0xa1: {  	s23 =	simm.s32 $0x1B8B  }
0xa2: {  	_ =	swait.ge [sflag:s23], $0x1  }
0xa3: {  	[sflag:s23] =	ssyncset.done $0x0  }
0xa4: {  	s25 =	simm.s32 $0x1B8E;
	s24 =	sld [smem:$0x3FFE];
	[sflag:s23] =	ssyncadd.s32 $0xFFFFFFFF  }
0xa5: {  	s26 =	simm.s32 $execute0_lowered;
	[smem:$0x3FD2] =	sst s25  }
0xa6: {  	s5 =	sshll.u32 s26, $0x1;
	_ =	strace $0x80000049;
	[dreg:$0x1] =	wrdreg $0xFFFFFFFF  }
0xa7: {  	s28 =	simm.s32 $_size_execute0_lowered;
	s3 =	sadd.s32 s3, s5;
	[dreg:$0x0] =	wrdreg $0x0  }
0xa8: {  	s5 =	sshll.u32 s28, $0x1;
	[dreg:$0x2] =	wrdreg s3  }
0xa9: {  	[dreg:$0x3] =	wrdreg s5  }
0xaa: {  	[dreg:$0x4] =	wrdreg $0xC0  }
0xab: {  	_ =	task [dreg:s7], $0x5FFFF  }
0xac: {  	[dreg:$0x1] =	wrdreg $0xFFFFFFFF  }
0xad: {  	[dreg:$0x0] =	wrdreg $0x60  }
0xae: {  	[dreg:$0x2] =	wrdreg s24  }
0xaf: {  	[dreg:$0x3] =	wrdreg s2  }
0xb0: {  	[dreg:$0x4] =	wrdreg $0x9  }
0xb1: {  	_ =	task.clear_ibuf [dreg:s7], $0x5FFFF;
	_ =	strace $0x90000049  }
0xb2: {  	s29 =	simm.s32 $0x9;
	_ =	strace $0x8000004B  }
0xb3: {  	_ =	swait.ge [sflag:s29], $0x1  }
0xb4: {  	[sflag:s29] =	ssyncadd.s32 $0xFFFFFFFF  }
0xb5: {  	_ =	strace $0x9000004B  }
0xb6: {  	_ =	sfence  }
0xb7: {  	s30 =	sld [smem:$0x0];
	_ =	sdelay $0x2  }
0xb8: {  	s31 =	sshll.u32 s1, $0xD;
	s1 =	sshrl.u32 s1, $0x2  }
0xb9: {  	s3 =	sand.u32 $0x4000, s31;
	s1 =	sadd.s32 s1, s30  }
0xba: {  	s0 =	sor.u32 s3, s0;
	s1 =	sshll.u32 s1, $0x11  }
0xbb: {  	s0 =	sor.u32 s1, s0  }
0xbc: {  	s0 =	sadd.s32 $0x8F2B, s0  }
0xbd: {  	[sflag:s0] =	ssyncadd.remote.s32 $0x1  }
0xbe: {  	_ =	sfence.sel $0xFFFF  }
0xbf: {  	[dreg:$0x0] =	wrdreg $0xFFFFFFFF;
	(pc) =	sbr.abs _section_cstart, $3  }
0xc0: {  	[dreg:$0x1] =	wrdreg $0xFFFFFFFF  }
0xc1: {  	_ =	task.clear_ibuf [dreg:s7], $0x2FFFF;
	_ =	strace $0x9FFFFFFF  }
0xc2: {  	(tm) =	ssettm $0x7FFFFFFF  }
0xc3: {  	_ =	shalt  }
tec
execute0_lowered:
.L_overlay_start_1:
0x0: {  	(tag) =	ssettag $0x1  }
0x1: {  	s1 =	srdreg.scid  }
0x2: {  	s0 =	stileid.u32;
	s8 =	rddreg [dreg:$0x0]  }
0x3: {  	s3 =	rddreg [dreg:$0x1];
	s6 =	sand.u32 $0x1, s1;
	s30 =	sshll.u32 s0, $0x1  }
0x4: {  	s2 =	simm.s32 $0x0;
	s1 =	rddreg [dreg:$0x2];
	s7 =	sor.u32 s6, s30  }
0x5: {  	[smem:$0x7FF] =	sst s2;
	s4 =	smul.u32 $0x50, s7  }
0x6: {  	s5 =	sadd.s32 $0x1EE00, s8;
	_ =	strace $0x8000004A;
	s10 =	ssub.s32 $0x2, s6  }
0x7: {  	s6 =	simm.s32 $0x280;
	s4 =	sadd.s32 s3, s4;
	s3 =	simm.s32 $0x2  }
0x8: {  	[tilespmem:s2], [sflag:$0x2] =	stream.linear.gather [hbm4b:s4+s2], $0x280, $0x38;
	[tilespmem:$0x2A80] =	vst v63  }
0x9: {  	s9 =	smul.u32 $0x500, s7;
	s11 =	sshrl.u32 s10, $0x1;
	_ =	swait.ge [sflag:s3], $0x280  }
0xa: {  	s7 =	simm.s32 $0x1;
	s31 =	ssub.s32 s10, s11;
	[sflag:s3] =	ssyncset.done $0x0  }
0xb: {  	s8 =	sadd.s32 s9, s8;
	s9 =	smax.u32 s31, $0x1;
	[sflag:s3] =	ssyncadd.s32 $0xFFFFFD80  }
0xc: {  	[tilespmem:s6], [sflag:$0x1] =	stream.indirect.gather [hbm4b:s5+s6], $0x10, s2, s6, $0xb8;
	[tilespmem:$0x2A80] =	vst v63  }
0xd: {  	p0 =	sne.s32 s9, $0x1;
	_ =	swait.ge [sflag:s7], $0x2800  }
.Ltmp0:
0xe: {  	[sflag:s7] =	ssyncset.done $0x0;
	(pc) =	sbr.rel @!p0 .LBB2_2-.Ltmp0, $4  }
0xf: {  	s8 =	sadd.s32 $0x20B200, s8;
	[sflag:s7] =	ssyncadd.s32 $0xFFFFD800  }
0x10: {  	[hbm4b:s8+s2] =	stream.linear.scatter [tilespmem:s6], [sflag:$0x2], $0x2800, $0x38;
	[tilespmem:$0x2A80] =	vst v63  }
0x11: {  	_ =	swait.ge [sflag:s3], $0x2800  }
0x12: {  	s9 =	sadd.s32 $0xFFFFFFFF, s9;
	[sflag:s3] =	ssyncset.done $0x0  }
.LBB2_1:
0x13: {  	p0 =	sne.s32 s9, $0x1;
	s9 =	sadd.s32 $0xFFFFFFFF, s9;
	[sflag:s3] =	ssyncadd.s32 $0xFFFFD800  }
0x14: {  	[tilespmem:s2], [sflag:$0x2] =	stream.linear.gather [hbm4b:s4+s2], $0x280, $0x38;
	[tilespmem:$0x2A80] =	vst v63  }
0x15: {  	_ =	swait.ge [sflag:s3], $0x280  }
0x16: {  	[sflag:s3] =	ssyncset.done $0x0  }
0x17: {  	[sflag:s3] =	ssyncadd.s32 $0xFFFFFD80  }
0x18: {  	[tilespmem:s6], [sflag:$0x1] =	stream.indirect.gather [hbm4b:s5+s6], $0x10, s2, s6, $0xb8;
	[tilespmem:$0x2A80] =	vst v63  }
0x19: {  	_ =	swait.ge [sflag:s7], $0x2800  }
.Ltmp1:
0x1a: {  	[sflag:s7] =	ssyncset.done $0x0;
	(pc) =	sbr.rel @p0 .LBB2_1-.Ltmp1, $4  }
0x1b: {  	[sflag:s7] =	ssyncadd.s32 $0xFFFFD800  }
0x1c: {  	[hbm4b:s8+s2] =	stream.linear.scatter [tilespmem:s6], [sflag:$0x2], $0x2800, $0x38;
	[tilespmem:$0x2A80] =	vst v63  }
0x1d: {  	_ =	swait.ge [sflag:s3], $0x2800  }
0x1e: {  	[sflag:s3] =	ssyncset.done $0x0  }
.LBB2_2:
0x1f: {  	[sflag:s3] =	ssyncadd.s32 $0xFFFFD800  }
0x20: {  	_ =	sfence.sel $0x180000  }
0x21: {  	[bflag:$0x0] =	sbarrier.arrive $0xFFFF  }
0x22: {  	p0 =	sne.s32 s0, $0x0;
	_ =	strace $0x9000004A  }
0x23: {  	s0 =	sadd.s32 @!p0 $0x100000, s1;
	[bflag:$0x2] =	sbarrier.arrive $0xFFFF  }
0x24: {  	[sflag:s0] =	ssyncadd.tile.s32 @!p0 $0x1;
	_ =	shalt  }
.Lfunc_end2:
_tile_overlayer_lowered:
.L_overlay_start_2:
0x25: {  	(tag) =	ssettag $0x2  }
0x26: {  	s0 =	rddreg [dreg:$0x0];
	s2 =	stileid.u32  }
0x27: {  	s1 =	rddreg [dreg:$0x1];
	p0 =	sne.s32 s2, $0x0  }
0x28: {  	s3 =	rddreg [dreg:$0x2];
	[bflag:$0x3] =	sbarrier.arrive $0xFFFF;
	s2 =	simm.s32 @!p0 $0x1C02  }
0x29: {  	[timem:s3], [sflag:s2] =	dma.local @!p0 [hbm:s0], s1  }
0x2a: {  	s0 =	simm.s32 @!p0 $0x2  }
0x2b: {  	_ =	swait.ge @!p0 [sflag:s0], s1  }
0x2c: {  	s1 =	ssub.s32 @!p0 $0x0, s1;
	[sflag:s0] =	ssyncset.done @!p0 $0x0  }
0x2d: {  	[sflag:s0] =	ssyncadd.s32 @!p0 s1  }
0x2e: {  	[bflag:$0x3] =	sbarrier.arrive $0xFFFF  }
0x2f: {  	_ =	shalt  }

// kernel: sparse-core-data-format-call.cloned.1.call-start
scs
called_computation_lowered:
.L_overlay_start_0:
0x0: {  	s1 =	sld [smem:$0x3FD9]  }
0x1: {  	s2 =	sld [smem:$0x3FFE];
	_ =	sdelay $0x1  }
0x2: {  	s3 =	srdreg.scid  }
0x3: {  	s0 =	sand.u32 $0x1, s3  }
0x4: {  	s17 =	sshll.u32 s0, $0xA;
	s1 =	sadd.s32 s2, s1  }
0x5: {  	s1 =	sadd.s32 s1, s17  }
0x6: {  	[smem:$0x3FC5] =	sst s1  }
0x7: {  	_ = 	snop  }
0x8: {  	(tm) =	ssettm $0x1  }
0x9: {  	s18 =	sld [smem:$0x3FFB];
	_ =	sdelay $0x3  }
0xa: {  	_ =	strace s18  }
0xb: {  	s1 =	sld [smem:$0x3FFC];
	_ =	sdelay $0x3  }
0xc: {  	_ =	strace s1  }
0xd: {  	s1 =	sld [smem:$0x3FFD];
	_ =	sdelay $0x3  }
0xe: {  	_ =	strace s1  }
0xf: {  	_ =	strace $0x8FFFFFFF  }
0x10: {  	s19 =	sld [smem:$0x3FDB];
	_ =	sdelay $0x1  }
0x11: {  	s20 =	simm.s32 $_scs_section_size  }
0x12: {  	s4 =	simm.s32 $_size__tile_overlayer_lowered;
	s5 =	simm.s32 $_tile_overlayer_lowered  }
0x13: {  	s23 =	simm.s32 $0x1BFF;
	s22 =	sshll.u32 s5, $0x1;
	s1 =	sadd.s32 s20, s19  }
0x14: {  	s6 =	simm.s32 $0x0;
	s21 =	sshll.u32 s4, $0x1;
	s4 =	sadd.s32 s22, s1  }
0x15: {  	[timem:s6], [sflag:s23] =	dma.local [hbm:s4], s21  }
0x16: {  	_ =	swait.ge [sflag:s23], s21  }
0x17: {  	s2 =	ssub.s32 $0x0, s21;
	[sflag:s23] =	ssyncset.done $0x0  }
0x18: {  	[sflag:s23] =	ssyncadd.s32 s2;
	_ =	sdelay $0x1  }
0x19: {  	s24 =	simm.s32 $0x1B8B  }
0x1a: {  	_ =	swait.ge [sflag:s24], $0x1  }
0x1b: {  	[sflag:s24] =	ssyncset.done $0x0  }
0x1c: {  	s26 =	simm.s32 $0x1B8E;
	s25 =	sld [smem:$0x3FFE];
	[sflag:s24] =	ssyncadd.s32 $0xFFFFFFFF  }
0x1d: {  	s27 =	simm.s32 $execute0_lowered;
	[smem:$0x3FD2] =	sst s26  }
0x1e: {  	s4 =	sshll.u32 s27, $0x1;
	_ =	strace $0x80000046;
	[dreg:$0x1] =	wrdreg $0xFFFFFFFF  }
0x1f: {  	s28 =	simm.s32 $_size_execute0_lowered;
	s1 =	sadd.s32 s1, s4;
	[dreg:$0x0] =	wrdreg $0x0  }
0x20: {  	s4 =	sshll.u32 s28, $0x1;
	[dreg:$0x2] =	wrdreg s1  }
0x21: {  	[dreg:$0x3] =	wrdreg s4  }
0x22: {  	[dreg:$0x4] =	wrdreg $0xC0  }
0x23: {  	_ =	task [dreg:s6], $0x5FFFF  }
0x24: {  	[dreg:$0x1] =	wrdreg $0xFFFFFFFF  }
0x25: {  	[dreg:$0x0] =	wrdreg $0x60  }
0x26: {  	[dreg:$0x2] =	wrdreg s25  }
0x27: {  	[dreg:$0x3] =	wrdreg $0x9  }
0x28: {  	_ =	task.clear_ibuf [dreg:s6], $0x4FFFF;
	_ =	strace $0x90000046  }
0x29: {  	s29 =	simm.s32 $0x9;
	_ =	strace $0x80000048  }
0x2a: {  	_ =	swait.ge [sflag:s29], $0x1  }
0x2b: {  	[sflag:s29] =	ssyncadd.s32 $0xFFFFFFFF  }
0x2c: {  	_ =	strace $0x90000048  }
0x2d: {  	_ =	sfence  }
0x2e: {  	s30 =	sld [smem:$0x0];
	_ =	sdelay $0x2  }
0x2f: {  	s31 =	sshll.u32 s3, $0xD;
	s3 =	sshrl.u32 s3, $0x2  }
0x30: {  	s2 =	sand.u32 $0x4000, s31;
	s1 =	sadd.s32 s3, s30  }
0x31: {  	s0 =	sor.u32 s2, s0;
	s1 =	sshll.u32 s1, $0x11  }
0x32: {  	s0 =	sor.u32 s1, s0  }
0x33: {  	s0 =	sadd.s32 $0x8F2B, s0  }
0x34: {  	[sflag:s0] =	ssyncadd.remote.s32 $0x1  }
0x35: {  	_ =	sfence.sel $0xFFFF  }
0x36: {  	[dreg:$0x0] =	wrdreg $0xFFFFFFFF;
	(pc) =	sbr.abs _section_cstart, $3  }
0x37: {  	[dreg:$0x1] =	wrdreg $0xFFFFFFFF  }
0x38: {  	_ =	task.clear_ibuf [dreg:s6], $0x2FFFF;
	_ =	strace $0x9FFFFFFF  }
0x39: {  	(tm) =	ssettm $0x7FFFFFFF  }
tec
execute0_lowered:
.L_overlay_start_1:
0x0: {  	(tag) =	ssettag $0x1  }
0x1: {  	s0 =	srdreg.scid  }
0x2: {  	s6 =	rddreg [dreg:$0x0];
	s7 =	simm.s32 $0x1;
	s1 =	sshll.u32 s0, $0x4  }
0x3: {  	s8 =	simm.s32 $0x2;
	s0 =	stileid.u32;
	s1 =	sand.u32 $0x10, s1  }
0x4: {  	s13 =	simm.s32 $0x0;
	s12 =	simm.s32 $0x0;
	s1 =	sor.u32 s0, s1  }
0x5: {  	s10 =	simm.s32 $0x0;
	s11 =	simm.s32 $0x0;
	s2 =	sshll.u32 s1, $0x7  }
0x6: {  	s3 =	sadd.s32 $0x7B200, s6;
	s6 =	sadd.s32 $0x267600, s6;
	s5 =	ssub.s32 $0xF6180, s2  }
.Ltmp0:
0x7: {  	s1 =	rddreg [dreg:$0x1];
	s4 =	sand.u32 $0xF80, s5;
	(pc) =	sbr.rel .LBB1_1-.Ltmp0, $4  }
0x8: {  	_ =	strace $0x80000047;
	s9 =	smov.u32 s2;
	p0 =	sne.s32 s4, $0x0  }
0x9: {  	s5 =	sshrl.u32 s5, $0xC;
	s4 =	simm.s32 $0x1;
	s7 =	simm.s32 @!p0 $0x0  }
0xa: {  	[sflag:s4] =	ssyncpa.u1 $0x0;
	p0 =	por $0x0, $0x0;
	s5 =	sadd.s32 s7, s5  }
0xb: {  	[sflag:s8] =	ssyncpa.u1 $0x0;
	s8 =	simm.s32 $0x80;
	s7 =	sadd.s32 $0x1, s5  }
.LBB1_4:
0xc: {  	s13 =	sshll.u32 s13, $0x7;
	s19 =	sshll.u32 s12, $0x3  }
0xd: {  	v5 =	vld [tilespmem:s17+$0xFFFFFFD0];
	[tilespmem:s16+$0x440 ss:$0x11] =	vst.msk $0xffff, v4;
	s20 =	sand.u32 $0xFFFFFC00, s13;
	s19 =	sand.u32 $0xFFFFFC00, s19  }
0xe: {  	v58 =	vld [tilespmem:s17+$0xFFFFFFE0];
	[tilespmem:s16+$0x550 ss:$0x11] =	vst.msk $0xffff, v3;
	s13 =	sand.u32 $0x380, s13;
	s19 =	sadd.s32 s19, s20  }
0xf: {  	s18 =	sshra.s32 s18, $0x2;
	v59 =	vld [tilespmem:s17+$0xFFFFFFF0];
	[tilespmem:s16+$0x660 ss:$0x11] =	vst.msk $0xffff, v2;
	s13 =	sor.u32 s13, s19  }
0x10: {  	v60 =	vld [tilespmem:s17+$0x0];
	[tilespmem:s16+$0x0 ss:$0x11] =	vst.msk $0xffff, v0;
	s15 =	sadd.s32 s18, s15;
	s13 =	sshrl.u32 s13, $0x7  }
0x11: {  	v61 =	vld [tilespmem:s17+$0x10];
	[tilespmem:s15+$0x770 ss:$0x11] =	vst.msk $0xffff, v1;
	s28 =	smulhi.u32 $0x85270B, s13  }
0x12: {  	v62 =	vld [tilespmem:s17+$0x20];
	[tilespmem:s15+$0x110 ss:$0x11] =	vst.msk $0xffff, v5  }
0x13: {  	v63 =	vld [tilespmem:s17+$0xFFFFFFC0];
	[tilespmem:s15+$0x220 ss:$0x11] =	vst.msk $0xffff, v58;
	s16 =	sshrl.u32 s28, $0xB  }
0x14: {  	[tilespmem:s15+$0x330 ss:$0x11] =	vst.msk $0xffff, v59;
	s16 =	smul.u32 $0xF6180, s16  }
0x15: {  	s29 =	sshrl.u32 s12, $0x3;
	[tilespmem:s15+$0x440 ss:$0x11] =	vst.msk $0xffff, v60  }
0x16: {  	s31 =	sand.u32 $0x7, s12;
	s30 =	sand.u32 $0xF, s29;
	[tilespmem:s15+$0x550 ss:$0x11] =	vst.msk $0xffff, v61;
	s13 =	ssub.s32 s13, s16  }
0x17: {  	s12 =	sshll.u32 s31, $0x12;
	[tilespmem:s15+$0x660 ss:$0x11] =	vst.msk $0xffff, v62;
	s16 =	sadd.s32 s6, s30;
	s13 =	sshll.u32 s13, $0x4  }
0x18: {  	s12 =	sor.u32 $0x10, s12;
	[tilespmem:s15+$0x0 ss:$0x11] =	vst.msk $0xffff, v63;
	s13 =	sadd.s32 s13, s16  }
0x19: {  	[hbm4b:s13+s12] =	stream.strided.scatter [tilespmem:s14], [sflag:$0x2], $0x800, s8, s12, $0x8;
	[tilespmem:$0x2100] =	vst v63  }
.LBB1_5:
0x1a: {  	s14 =	sadd.s32 $0x1000, s9  }
0x1b: {  	s12 =	sadd.s32 $0x10, s10;
	s16 =	smov.u32 s10;
	p2 =	sgt.s32 s14, $0xF617F  }
0x1c: {  	s16 =	smov.u32 @p2 s12  }
0x1d: {  	s14 =	smov.u32 @p2 s2;
	p2 =	sgt.s32 s16, $0xF  }
0x1e: {  	s16 =	simm.s32 @p2 $0x0;
	p2 =	sne.s32 s11, s7  }
.Ltmp1:
0x1f: {  	p1 =	slt.u32 s11, $0x2;
	(pc) =	sbr.rel @!p2 .LBB1_6-.Ltmp1, $4  }
0x20: {  	s15 =	simm.s32 @!p1 $0x2  }
0x21: {  	s13 =	smov.u32 s9;
	p0 =	por !p0, !p0;
	_ =	swait.ge @!p1 [sflag:s15], $0x800  }
0x22: {  	s12 =	smov.u32 s10;
	[sflag:s15] =	ssyncset.done @!p1 $0x0;
	s9 =	smov.u32 s14  }
0x23: {  	s11 =	sadd.s32 $0x1, s11;
	[sflag:s15] =	ssyncadd.s32 @!p1 $0xFFFFF800;
	s10 =	smov.u32 s16  }
.LBB1_1:
0x24: {  	p1 =	sge.u32 s11, s5  }
0x25: {  	s14 =	sshrl.u32 @!p1 s10, $0x3  }
0x26: {  	s15 =	sshll.u32 @!p1 s9, $0x3;
	s14 =	smul.u32 @!p1 $0x7B0C00, s14  }
0x27: {  	s16 =	sshll.u32 @!p1 s10, $0x7;
	s15 =	sand.u32 @!p1 $0xFFFFFC00, s15  }
0x28: {  	s14 =	sadd.s32 @!p1 s14, s15;
	s15 =	sand.u32 @!p1 $0x380, s16  }
0x29: {  	s16 =	sand.u32 @!p1 $0x7F, s9;
	s14 =	sor.u32 @!p1 s15, s14  }
0x2a: {  	s15 =	sor.u32 @!p1 s16, s14  }
0x2b: {  	s16 =	smulhi.u32 @!p1 $0x85270AC3, s15;
	_ =	sdelay $0x1  }
0x2c: {  	s14 =	smulhi.u32 @!p1 $0x85270AC3, s14;
	s16 =	sshrl.u32 @!p1 s16, $0x13  }
0x2d: {  	s16 =	smul.u32 @!p1 $0xF6180, s16  }
0x2e: {  	s31 =	sadd.s32 $0xFFFFFFFF, s11;
	s17 =	sxor.u32 @!p1 $0xFFFFFFFF, s11;
	s14 =	sshrl.u32 @!p1 s14, $0x13  }
0x2f: {  	s17 =	sshll.u32 @!p1 s17, $0xB;
	s14 =	sand.u32 @!p1 $0xF, s14;
	s15 =	ssub.s32 @!p1 s15, s16  }
0x30: {  	s14 =	smul.u32 @!p1 $0x1EC30, s14;
	s16 =	sshrl.u32 @!p1 s15, $0x3;
	s15 =	sand.u32 @!p1 $0x7, s15  }
0x31: {  	s17 =	sand.u32 @!p1 $0x800, s17;
	s16 =	sadd.s32 @!p1 s3, s16;
	s15 =	sshll.u32 @!p1 s15, $0x12  }
0x32: {  	s14 =	sadd.s32 @!p1 s14, s16;
	s15 =	sor.u32 @!p1 $0x400, s15;
	s16 =	simm.s32 @!p1 $0x7B0C00  }
0x33: {  	[tilespmem:s17], [sflag:$0x1] =	stream.strided.gather @!p1 [hbm4b:s14+s15], $0x800, s16, s15, $0x38;
	[tilespmem:$0x2100] =	vst v63  }
0x34: {  	p1 =	sge.u32 s31, s5  }
.Ltmp2:
0x35: {  	_ = 	snop;
	(pc) =	sbr.rel @p1 .LBB1_5-.Ltmp2, $1  }
0x36: {  	_ =	sdelay $0x3  }
0x37: {  	s14 =	simm.s32 $0x1  }
0x38: {  	_ =	swait.ge [sflag:s4], $0x800;
	s14 =	simm.s32 @!p0 $0x0  }
0x39: {  	[sflag:s4] =	ssyncset.done $0x0;
	s15 =	sshll.u32 s14, $0xB  }
0x3a: {  	[sflag:s4] =	ssyncadd.s32 $0xFFFFF800;
	s17 =	sor.u32 $0x40, s15  }
0x3b: {  	s14 =	smul.u32 $0x2200, s14;
	v0 =	vld [tilespmem:s17+$0x30]  }
0x3c: {  	v1 =	vld [tilespmem:s17+$0xFFFFFFD0]  }
0x3d: {  	s14 =	sshrl.u32 s14, $0x2;
	v5 =	vld [tilespmem:s17+$0xFFFFFFE0]  }
0x3e: {  	v6 =	vld [tilespmem:s17+$0xFFFFFFF0];
	s15 =	sor.u32 $0x1000, s14  }
0x3f: {  	s31 =	sand.u32 $0x1, s11;
	v4 =	vld [tilespmem:s17+$0x0];
	s16 =	sadd.s32 $0x0, s15  }
0x40: {  	v3 =	vld [tilespmem:s17+$0x10];
	s14 =	smul.u32 $0x2200, s31;
	[tilespmem:s16+$0x770 ss:$0x11] =	vst.msk $0xffff, v0  }
0x41: {  	v2 =	vld [tilespmem:s17+$0x20];
	[tilespmem:s16+$0x110 ss:$0x11] =	vst.msk $0xffff, v1  }
0x42: {  	s14 =	sshrl.u32 s14, $0x2;
	v0 =	vld [tilespmem:s17+$0xFFFFFFC0];
	[tilespmem:s16+$0x220 ss:$0x11] =	vst.msk $0xffff, v5;
	s17 =	sadd.s32 $0x80, s17  }
0x43: {  	s18 =	simm.s32 $0x4;
	s19 =	simm.s32 $0x8;
	s14 =	sor.u32 $0x1000, s14;
	[tilespmem:s16+$0x330 ss:$0x11] =	vst.msk $0xffff, v6;
	v1 =	vld [tilespmem:s17+$0x30]  }
.LBB1_3:
0x44: {  	p1 =	sne.s32 s19, $0x3C;
	v5 =	vld [tilespmem:s17+$0xFFFFFFD0];
	[tilespmem:s16+$0x440 ss:$0x11] =	vst.msk $0xffff, v4  }
0x45: {  	v6 =	vld [tilespmem:s17+$0xFFFFFFE0];
	[tilespmem:s16+$0x550 ss:$0x11] =	vst.msk $0xffff, v3  }
0x46: {  	s20 =	sshra.s32 s18, $0x2;
	s18 =	smov.u32 s19;
	v7 =	vld [tilespmem:s17+$0xFFFFFFF0];
	[tilespmem:s16+$0x660 ss:$0x11] =	vst.msk $0xffff, v2  }
.Ltmp3:
0x47: {  	v4 =	vld [tilespmem:s17+$0x0];
	[tilespmem:s16+$0x0 ss:$0x11] =	vst.msk $0xffff, v0;
	s16 =	sadd.s32 s20, s15;
	(pc) =	sbr.rel @p1 .LBB1_3-.Ltmp3, $4  }
0x48: {  	v3 =	vld [tilespmem:s17+$0x10];
	[tilespmem:s16+$0x770 ss:$0x11] =	vst.msk $0xffff, v1  }
0x49: {  	[tilespmem:s16+$0x110 ss:$0x11] =	vst.msk $0xffff, v5;
	v2 =	vld [tilespmem:s17+$0x20]  }
0x4a: {  	v0 =	vld [tilespmem:s17+$0xFFFFFFC0];
	[tilespmem:s16+$0x220 ss:$0x11] =	vst.msk $0xffff, v6;
	s17 =	sadd.s32 $0x80, s17  }
0x4b: {  	s19 =	sadd.s32 $0x4, s19;
	v1 =	vld [tilespmem:s17+$0x30];
	[tilespmem:s16+$0x330 ss:$0x11] =	vst.msk $0xffff, v7  }
.Ltmp4:
0x4c: {  	_ = 	snop;
	(pc) =	sbr.rel .LBB1_4-.Ltmp4, $1  }
0x4d: {  	_ =	sdelay $0x3  }
.LBB1_6:
0x4e: {  	_ =	sfence.sel $0x180000  }
0x4f: {  	s2 =	simm.s32 $0x1;
	[bflag:$0x0] =	sbarrier.arrive $0xFFFF  }
0x50: {  	s31 =	simm.s32 $0x2;
	[sflag:s2] =	ssyncpa.u1 $0x1  }
0x51: {  	[sflag:s31] =	ssyncpa.u1 $0x1  }
0x52: {  	p0 =	sne.s32 s0, $0x0;
	_ =	strace $0x90000047  }
0x53: {  	s0 =	sadd.s32 @!p0 $0x100000, s1;
	[bflag:$0x2] =	sbarrier.arrive $0xFFFF  }
0x54: {  	[sflag:s0] =	ssyncadd.tile.s32 @!p0 $0x1;
	_ =	shalt  }
.Lfunc_end1:
_tile_overlayer_lowered:
.L_overlay_start_2:
0x55: {  	(tag) =	ssettag $0x2  }
0x56: {  	s0 =	rddreg [dreg:$0x0];
	s2 =	stileid.u32  }
0x57: {  	s1 =	rddreg [dreg:$0x1];
	p0 =	sne.s32 s2, $0x0  }
0x58: {  	s3 =	rddreg [dreg:$0x2];
	[bflag:$0x3] =	sbarrier.arrive $0xFFFF;
	s2 =	simm.s32 @!p0 $0x1C01  }
0x59: {  	[timem:s3], [sflag:s2] =	dma.local @!p0 [hbm:s0], s1  }
0x5a: {  	s0 =	simm.s32 @!p0 $0x1  }
0x5b: {  	_ =	swait.ge @!p0 [sflag:s0], s1  }
0x5c: {  	s1 =	ssub.s32 @!p0 $0x0, s1;
	[sflag:s0] =	ssyncset.done @!p0 $0x0  }
0x5d: {  	[sflag:s0] =	ssyncadd.s32 @!p0 s1  }
0x5e: {  	[bflag:$0x3] =	sbarrier.arrive $0xFFFF  }
0x5f: {  	_ =	shalt  }

</sc_bundles>
